<compile_context>
chip_gen: v7x
topology: tpu7x:2x2x1
jax: 0.10.2.dev20260603
libtpu: 0.0.44.dev20260713+nightly
codegen_flags: <defaults>
</compile_context>

<pallas_src>
import functools

import jax
import jax.numpy as jnp
from jax import lax
from jax.experimental import pallas as pl
from jax.experimental.pallas import tpu as pltpu
from jax.experimental.pallas import tpu_sc as plsc

_N = 10000
_E = 320000
_F = 128
_FE = 16
_G = 256
_NC = 2
_NS = 16
_NW = _NC * _NS
_EPW = _E // _NW
_QBLK = 160000
_QGRID = _E // _QBLK
_L = 16
_CP = 10112


def _prep_body(x_ref, eat_ref, ei_ref, w1_ref, b1r_ref, w2_ref, w3_ref,
               p_ref, q_ref, src_ref, dst_ref):
    i = pl.program_id(0)
    v = jnp.dot(w3_ref[...], w2_ref[...], preferred_element_type=jnp.float32,
                precision=lax.Precision.HIGHEST)
    u = jnp.dot(v, w1_ref[...], preferred_element_type=jnp.float32,
                precision=lax.Precision.HIGHEST)
    c1 = jnp.sum(v * b1r_ref[...])
    u_e = u[:, _F:]
    q_ref[...] = jnp.dot(
        u_e, eat_ref[...], preferred_element_type=jnp.float32) + c1
    ei = ei_ref[...]
    src_ref[...] = ei[0:1, :]
    dst_ref[...] = ei[1:2, :]

    @pl.when(i == 0)
    def _():
        u_x = u[:, :_F]
        p_ref[...] = lax.dot_general(
            u_x, x_ref[...], (((1,), (1,)), ((), ())),
            preferred_element_type=jnp.float32)


def _prep(x, eat, ei, w1, b1r, w2, w3):
    return pl.pallas_call(
        _prep_body,
        grid=(_QGRID,),
        in_specs=[
            pl.BlockSpec((_N, _F), lambda i: (0, 0)),
            pl.BlockSpec((_FE, _QBLK), lambda i: (0, i)),
            pl.BlockSpec((2, _QBLK), lambda i: (0, i)),
            pl.BlockSpec(w1.shape, lambda i: (0, 0)),
            pl.BlockSpec(b1r.shape, lambda i: (0, 0)),
            pl.BlockSpec(w2.shape, lambda i: (0, 0)),
            pl.BlockSpec(w3.shape, lambda i: (0, 0)),
        ],
        out_specs=[
            pl.BlockSpec((1, _N), lambda i: (0, 0)),
            pl.BlockSpec((1, _QBLK), lambda i: (0, i)),
            pl.BlockSpec((1, _QBLK), lambda i: (0, i)),
            pl.BlockSpec((1, _QBLK), lambda i: (0, i)),
        ],
        out_shape=[
            jax.ShapeDtypeStruct((1, _N), jnp.float32),
            jax.ShapeDtypeStruct((1, _E), jnp.float32),
            jax.ShapeDtypeStruct((1, _E), jnp.int32),
            jax.ShapeDtypeStruct((1, _E), jnp.int32),
        ],
    )(x, eat, ei, w1, b1r, w2, w3)


def _sc_edges_body(src_hbm, dst_hbm, q_hbm, batch_hbm, p_hbm, out_hbm,
                   dst_v, src_v, q_v, batch_v, p_v, acc_v,
                   sem0, sem1, sem2, sem3, sem4):
    wid = lax.axis_index("s") * _NC + lax.axis_index("c")
    base = wid * _EPW
    abase = pl.multiple_of((base // 128) * 128, 128)
    off0 = base - abase
    c0 = pltpu.async_copy(batch_hbm, batch_v, sem0)
    c1 = pltpu.async_copy(p_hbm.at[0], p_v, sem1)
    c2 = pltpu.async_copy(dst_hbm.at[0, pl.ds(abase, _CP)], dst_v, sem2)
    c3 = pltpu.async_copy(src_hbm.at[0, pl.ds(abase, _CP)], src_v, sem3)
    c4 = pltpu.async_copy(q_hbm.at[0, pl.ds(abase, _CP)], q_v, sem4)

    zeros = jnp.zeros((_L,), jnp.float32)

    @plsc.parallel_loop(0, _G, 1, unroll=8)
    def _(i):
        acc_v[pl.ds(i * _L, _L)] = zeros

    c0.wait()
    c1.wait()
    c2.wait()
    c3.wait()
    c4.wait()

    lane = lax.iota(jnp.int32, _L)

    @plsc.parallel_loop(0, _EPW // _L, 1, unroll=25)
    def _(i):
        off = off0 + i * _L
        d16 = dst_v[pl.ds(off, _L)]
        s16 = src_v[pl.ds(off, _L)]
        q16 = q_v[pl.ds(off, _L)]
        g16 = plsc.load_gather(batch_v, [d16])
        p16 = plsc.load_gather(p_v, [s16])
        idx = g16 * _L + lane
        plsc.addupdate_scatter(acc_v, [idx], p16 + q16)

    pltpu.sync_copy(acc_v, out_hbm.at[wid])


def _sc_edges(src2, dst2, q2, batch, p2):
    mesh = plsc.VectorSubcoreMesh(core_axis_name="c", subcore_axis_name="s")
    run = pl.kernel(
        _sc_edges_body, mesh=mesh,
        compiler_params=pltpu.CompilerParams(needs_layout_passes=False),
        out_type=jax.ShapeDtypeStruct((_NW, _G * _L), jnp.float32),
        scratch_types=[
            pltpu.VMEM((_CP,), jnp.int32),
            pltpu.VMEM((_CP,), jnp.int32),
            pltpu.VMEM((_CP,), jnp.float32),
            pltpu.VMEM((_N,), jnp.int32),
            pltpu.VMEM((_N,), jnp.float32),
            pltpu.VMEM((_G * _L,), jnp.float32),
            pltpu.SemaphoreType.DMA,
            pltpu.SemaphoreType.DMA,
            pltpu.SemaphoreType.DMA,
            pltpu.SemaphoreType.DMA,
            pltpu.SemaphoreType.DMA,
        ],
    )
    return run(src2, dst2, q2, batch, p2)


def _finish_body(part_ref, w3_ref, b2_ref, b3_ref, o_ref):
    colsum = jnp.sum(part_ref[...], axis=0, keepdims=True)
    m = lax.broadcasted_iota(jnp.int32, (_G * _L, _G), 0)
    c = lax.broadcasted_iota(jnp.int32, (_G * _L, _G), 1)
    sel = jnp.where(m // _L == c, 1.0, 0.0).astype(jnp.float32)
    s2 = jnp.dot(colsum, sel, preferred_element_type=jnp.float32,
                 precision=lax.Precision.HIGHEST)
    c0 = jnp.sum(w3_ref[...] * b2_ref[...]) + b3_ref[0, 0]
    o_ref[...] = s2 + c0


def _finish(part, w3, b2r, b3r):
    return pl.pallas_call(
        _finish_body,
        out_shape=jax.ShapeDtypeStruct((1, _G), jnp.float32),
    )(part, w3, b2r, b3r)


def kernel(x, edge_index, edge_attr, smiles, batch, W1, b1, W2, b2, W3, b3):
    p, q, src2, dst2 = _prep(x, edge_attr.T, edge_index, W1,
                             b1.reshape(1, -1), W2, W3)
    part = _sc_edges(src2, dst2, q, batch, p)
    out = _finish(part, W3, b2.reshape(1, -1), b3.reshape(1, 1))
    return out.reshape(_G, 1)

# --- scband reference (transcript-rebuilt; emitter-appended) ---
"""Pipeline reference for scband-my-net-19378892440028 (READ-ONLY COPY).

The authoritative reference and input builder live on the scoring server;
editing this copy changes nothing except your own understanding.
"""

import jax, jax.numpy as jnp
import numpy as np

INNER = 512
NUM_GRAPHS = 256


def setup_inputs(seed: int = 0) -> dict:
    key = jax.random.key(seed)
    ks = jax.random.split(key, 10)
    N, E, F, FE = 10000, 320000, 128, 16
    x = jax.random.normal(ks[0], (N, F), dtype=jnp.float32)
    edge_index = jax.random.randint(ks[1], (2, E), 0, N, dtype=jnp.int32)
    edge_attr = jax.random.normal(ks[2], (E, FE), dtype=jnp.float32)
    batch = jnp.sort(jax.random.randint(ks[3], (N,), 0, NUM_GRAPHS, dtype=jnp.int32))
    smiles = 0  # unused by the module's computation
    # learned params
    W1 = jax.random.normal(ks[4], (INNER, F + FE), dtype=jnp.float32) * 0.02
    b1 = jnp.zeros((INNER,), dtype=jnp.float32)
    W2 = jax.random.normal(ks[5], (50, INNER), dtype=jnp.float32) * 0.02
    b2 = jnp.zeros((50,), dtype=jnp.float32)
    W3 = jax.random.normal(ks[6], (1, 50), dtype=jnp.float32) * 0.02
    b3 = jnp.zeros((1,), dtype=jnp.float32)
    return {"x": x, "edge_index": edge_index, "edge_attr": edge_attr,
            "smiles": smiles, "batch": batch,
            "W1": W1, "b1": b1, "W2": W2, "b2": b2, "W3": W3, "b3": b3}


def reference(x, edge_index, edge_attr, smiles, batch, W1, b1, W2, b2, W3, b3):
    # PyG MessagePassing default flow: x_j = x[edge_index[0]] (source),
    # aggregate (add) at edge_index[1] (target).
    src = edge_index[0]
    dst = edge_index[1]
    x_j = jnp.take(x, src, axis=0)                      # gather [E, F]
    neighbor = jnp.concatenate([x_j, edge_attr], axis=1)  # [E, F+FE]
    msg = neighbor @ W1.T + b1                          # lin1 per edge [E, 512]
    node_out = jax.ops.segment_sum(msg, dst, num_segments=x.shape[0])  # scatter-add
    mol = jax.ops.segment_sum(node_out, batch, num_segments=NUM_GRAPHS)  # global_add_pool
    hidden = mol @ W2.T + b2
    out = hidden @ W3.T + b3
    return out

if __name__ == "__main__":
    import jax
    _d = setup_inputs()
    print(jax.jit(kernel)(*tuple(_d.values())))

</pallas_src>

<mosaic_0001>
#map = affine_map<(d0, d1) -> (0, 0)>
#map1 = affine_map<(d0, d1) -> (0)>
module attributes {stable_mosaic.version = 14 : i64} {
  func.func @_sc_edges_body(%arg0: i32, %arg1: i32, %arg2: memref<1x320000xi32, #tpu.memory_space<hbm>>, %arg3: memref<1x320000xi32, #tpu.memory_space<hbm>>, %arg4: memref<1x320000xf32, #tpu.memory_space<hbm>>, %arg5: memref<10000xi32, #tpu.memory_space<hbm>>, %arg6: memref<1x10000xf32, #tpu.memory_space<hbm>>, %arg7: memref<32x4096xf32, #tpu.memory_space<hbm>>, %arg8: memref<10112xi32, #tpu.memory_space<vmem>>, %arg9: memref<10112xi32, #tpu.memory_space<vmem>>, %arg10: memref<10112xf32, #tpu.memory_space<vmem>>, %arg11: memref<10000xi32, #tpu.memory_space<vmem>>, %arg12: memref<10000xf32, #tpu.memory_space<vmem>>, %arg13: memref<4096xf32, #tpu.memory_space<vmem>>, %arg14: memref<!tpu.dma_semaphore, #tpu.memory_space<semaphore_mem>>, %arg15: memref<!tpu.dma_semaphore, #tpu.memory_space<semaphore_mem>>, %arg16: memref<!tpu.dma_semaphore, #tpu.memory_space<semaphore_mem>>, %arg17: memref<!tpu.dma_semaphore, #tpu.memory_space<semaphore_mem>>, %arg18: memref<!tpu.dma_semaphore, #tpu.memory_space<semaphore_mem>>) attributes {dimension_semantics = [#tpu.dimension_semantics<core_parallel>, #tpu.dimension_semantics<subcore_parallel>], iteration_bounds = array<i64: 2, 16>, scalar_prefetch = 0 : i64, scratch_operands = 11 : i64, tpu.core_type = #tpu.core_type<sc_vector_subcore>, window_params = [{transform_indices = #map}, {transform_indices = #map}, {transform_indices = #map}, {transform_indices = #map1}, {transform_indices = #map}, {transform_indices = #map}]} {
    %mul3A = arith.constant 2 : i32
    %mul3A_0 = arith.muli %arg1, %mul3A : i32
    %add3A = arith.addi %mul3A_0, %arg0 : i32
    %mul3A_1 = arith.constant 10000 : i32
    %mul3A_2 = arith.muli %add3A, %mul3A_1 : i32
    %jit3A = arith.constant 128 : i32
    %div3A = arith.divsi %mul3A_2, %jit3A : i32
    %sign3A = arith.constant 0 : i32
    %sign3A_3 = arith.cmpi sgt, %mul3A_2, %sign3A : i32
    %sign3A_4 = arith.extui %sign3A_3 : i1 to i32
    %sign3A_5 = arith.constant 0 : i32
    %sign3A_6 = arith.cmpi slt, %mul3A_2, %sign3A_5 : i32
    %sign3A_7 = arith.extui %sign3A_6 : i1 to i32
    %sign3A_8 = arith.subi %sign3A_4, %sign3A_7 : i32
    %sign3A_9 = arith.constant 0 : i32
    %sign3A_10 = arith.cmpi sgt, %jit3A, %sign3A_9 : i32
    %sign3A_11 = arith.extui %sign3A_10 : i1 to i32
    %sign3A_12 = arith.constant 0 : i32
    %sign3A_13 = arith.cmpi slt, %jit3A, %sign3A_12 : i32
    %sign3A_14 = arith.extui %sign3A_13 : i1 to i32
    %sign3A_15 = arith.subi %sign3A_11, %sign3A_14 : i32
    %ne3A = arith.cmpi ne, %sign3A_8, %sign3A_15 : i32
    %rem3A = arith.remsi %mul3A_2, %jit3A : i32
    %ne3A_16 = arith.constant 0 : i32
    %ne3A_17 = arith.cmpi ne, %rem3A, %ne3A_16 : i32
    %and3A = arith.andi %ne3A, %ne3A_17 : i1
    %sub3A = arith.constant 1 : i32
    %sub3A_18 = arith.subi %div3A, %sub3A : i32
    %select_n3A = arith.select %and3A, %sub3A_18, %div3A : i32
    %mul3A_19 = arith.constant 128 : i32
    %mul3A_20 = arith.muli %select_n3A, %mul3A_19 : i32
    %multiple_of3A = tpu.assume_multiple %mul3A_20, 128 : i32
    %sub3A_21 = arith.subi %mul3A_2, %multiple_of3A : i32
    tpu.enqueue_dma source(%arg5 : memref<10000xi32, #tpu.memory_space<hbm>>) target(%arg11 : memref<10000xi32, #tpu.memory_space<vmem>>) target_semaphore(%arg14 : memref<!tpu.dma_semaphore, #tpu.memory_space<semaphore_mem>>)
    %dma_start3A = arith.constant 0 : i32
    %dma_start3A_22 = arith.constant 0 : i32
    %dma_start3A_23 = tpu.memref_slice %arg6[%dma_start3A, %dma_start3A_22] : memref<1x10000xf32, #tpu.memory_space<hbm>> -> memref<1x10000xf32, #tpu.memory_space<hbm>>
    %dma_start3A_24 = tpu.memref_squeeze %dma_start3A_23 : memref<1x10000xf32, #tpu.memory_space<hbm>> -> memref<10000xf32, #tpu.memory_space<hbm>>
    %dma_start3A_25 = arith.constant 0 : i32
    %dma_start3A_26 = tpu.memref_slice %arg6[%dma_start3A, %dma_start3A_25] : memref<1x10000xf32, #tpu.memory_space<hbm>> -> memref<1x10000xf32, #tpu.memory_space<hbm>>
    %dma_start3A_27 = tpu.memref_squeeze %dma_start3A_26 : memref<1x10000xf32, #tpu.memory_space<hbm>> -> memref<10000xf32, #tpu.memory_space<hbm>>
    tpu.enqueue_dma source(%dma_start3A_27 : memref<10000xf32, #tpu.memory_space<hbm>>) target(%arg12 : memref<10000xf32, #tpu.memory_space<vmem>>) target_semaphore(%arg15 : memref<!tpu.dma_semaphore, #tpu.memory_space<semaphore_mem>>)
    %dma_start3A_28 = arith.constant 0 : i32
    %dma_start3A_29 = tpu.memref_slice %arg3[%dma_start3A_28, %multiple_of3A] : memref<1x320000xi32, #tpu.memory_space<hbm>> -> memref<1x10112xi32, #tpu.memory_space<hbm>>
    %dma_start3A_30 = tpu.memref_squeeze %dma_start3A_29 : memref<1x10112xi32, #tpu.memory_space<hbm>> -> memref<10112xi32, #tpu.memory_space<hbm>>
    %dma_start3A_31 = tpu.memref_slice %arg3[%dma_start3A_28, %multiple_of3A] : memref<1x320000xi32, #tpu.memory_space<hbm>> -> memref<1x10112xi32, #tpu.memory_space<hbm>>
    %dma_start3A_32 = tpu.memref_squeeze %dma_start3A_31 : memref<1x10112xi32, #tpu.memory_space<hbm>> -> memref<10112xi32, #tpu.memory_space<hbm>>
    tpu.enqueue_dma source(%dma_start3A_32 : memref<10112xi32, #tpu.memory_space<hbm>>) target(%arg8 : memref<10112xi32, #tpu.memory_space<vmem>>) target_semaphore(%arg16 : memref<!tpu.dma_semaphore, #tpu.memory_space<semaphore_mem>>)
    %dma_start3A_33 = arith.constant 0 : i32
    %dma_start3A_34 = tpu.memref_slice %arg2[%dma_start3A_33, %multiple_of3A] : memref<1x320000xi32, #tpu.memory_space<hbm>> -> memref<1x10112xi32, #tpu.memory_space<hbm>>
    %dma_start3A_35 = tpu.memref_squeeze %dma_start3A_34 : memref<1x10112xi32, #tpu.memory_space<hbm>> -> memref<10112xi32, #tpu.memory_space<hbm>>
    %dma_start3A_36 = tpu.memref_slice %arg2[%dma_start3A_33, %multiple_of3A] : memref<1x320000xi32, #tpu.memory_space<hbm>> -> memref<1x10112xi32, #tpu.memory_space<hbm>>
    %dma_start3A_37 = tpu.memref_squeeze %dma_start3A_36 : memref<1x10112xi32, #tpu.memory_space<hbm>> -> memref<10112xi32, #tpu.memory_space<hbm>>
    tpu.enqueue_dma source(%dma_start3A_37 : memref<10112xi32, #tpu.memory_space<hbm>>) target(%arg9 : memref<10112xi32, #tpu.memory_space<vmem>>) target_semaphore(%arg17 : memref<!tpu.dma_semaphore, #tpu.memory_space<semaphore_mem>>)
    %dma_start3A_38 = arith.constant 0 : i32
    %dma_start3A_39 = tpu.memref_slice %arg4[%dma_start3A_38, %multiple_of3A] : memref<1x320000xf32, #tpu.memory_space<hbm>> -> memref<1x10112xf32, #tpu.memory_space<hbm>>
    %dma_start3A_40 = tpu.memref_squeeze %dma_start3A_39 : memref<1x10112xf32, #tpu.memory_space<hbm>> -> memref<10112xf32, #tpu.memory_space<hbm>>
    %dma_start3A_41 = tpu.memref_slice %arg4[%dma_start3A_38, %multiple_of3A] : memref<1x320000xf32, #tpu.memory_space<hbm>> -> memref<1x10112xf32, #tpu.memory_space<hbm>>
    %dma_start3A_42 = tpu.memref_squeeze %dma_start3A_41 : memref<1x10112xf32, #tpu.memory_space<hbm>> -> memref<10112xf32, #tpu.memory_space<hbm>>
    tpu.enqueue_dma source(%dma_start3A_42 : memref<10112xf32, #tpu.memory_space<hbm>>) target(%arg10 : memref<10112xf32, #tpu.memory_space<vmem>>) target_semaphore(%arg18 : memref<!tpu.dma_semaphore, #tpu.memory_space<semaphore_mem>>)
    %broadcast_in_dim3A = arith.constant 0.000000e+00 : f32
    %broadcast_in_dim3A_43 = vector.broadcast %broadcast_in_dim3A : f32 to vector<16xf32>
    %parallel_loop3A = arith.constant 0 : i32
    %parallel_loop3A_44 = arith.constant 256 : i32
    %parallel_loop3A_45 = arith.constant 1 : i32
    scf.for %parallel_loop3A_70 = %parallel_loop3A to %parallel_loop3A_44 step %parallel_loop3A_45  : i32 {
      %parallel_loop3A_71 = arith.constant 16 : i32
      %parallel_loop3A_72 = arith.muli %parallel_loop3A_70, %parallel_loop3A_71 : i32
      %parallel_loop3A_73 = arith.index_cast %parallel_loop3A_72 : i32 to index
      %parallel_loop3A_74 = tpu.vector_load %arg13[%parallel_loop3A_73] {strides = array<i32>} : memref<4096xf32, #tpu.memory_space<vmem>>, vector<16xf32>,
      tpu.vector_store %arg13[%parallel_loop3A_73], %broadcast_in_dim3A_43 {strides = array<i32>} : memref<4096xf32, #tpu.memory_space<vmem>>, vector<16xf32>,
    } {sc.loop_unroll_factor = 8 : i64, sc.parallel_access}
    tpu.wait_dma2 semaphore(%arg14 : memref<!tpu.dma_semaphore, #tpu.memory_space<semaphore_mem>>) src(%arg5 : memref<10000xi32, #tpu.memory_space<hbm>>) dst(%arg11 : memref<10000xi32, #tpu.memory_space<vmem>>)
    %dma_wait3A = arith.constant 0 : i32
    %dma_wait3A_46 = arith.constant 0 : i32
    %dma_wait3A_47 = tpu.memref_slice %arg6[%dma_wait3A, %dma_wait3A_46] : memref<1x10000xf32, #tpu.memory_space<hbm>> -> memref<1x10000xf32, #tpu.memory_space<hbm>>
    %dma_wait3A_48 = tpu.memref_squeeze %dma_wait3A_47 : memref<1x10000xf32, #tpu.memory_space<hbm>> -> memref<10000xf32, #tpu.memory_space<hbm>>
    %dma_wait3A_49 = arith.constant 0 : i32
    %dma_wait3A_50 = tpu.memref_slice %arg6[%dma_wait3A, %dma_wait3A_49] : memref<1x10000xf32, #tpu.memory_space<hbm>> -> memref<1x10000xf32, #tpu.memory_space<hbm>>
    %dma_wait3A_51 = tpu.memref_squeeze %dma_wait3A_50 : memref<1x10000xf32, #tpu.memory_space<hbm>> -> memref<10000xf32, #tpu.memory_space<hbm>>
    tpu.wait_dma2 semaphore(%arg15 : memref<!tpu.dma_semaphore, #tpu.memory_space<semaphore_mem>>) src(%dma_wait3A_51 : memref<10000xf32, #tpu.memory_space<hbm>>) dst(%arg12 : memref<10000xf32, #tpu.memory_space<vmem>>)
    %dma_wait3A_52 = arith.constant 0 : i32
    %dma_wait3A_53 = tpu.memref_slice %arg3[%dma_wait3A_52, %multiple_of3A] : memref<1x320000xi32, #tpu.memory_space<hbm>> -> memref<1x10112xi32, #tpu.memory_space<hbm>>
    %dma_wait3A_54 = tpu.memref_squeeze %dma_wait3A_53 : memref<1x10112xi32, #tpu.memory_space<hbm>> -> memref<10112xi32, #tpu.memory_space<hbm>>
    %dma_wait3A_55 = tpu.memref_slice %arg3[%dma_wait3A_52, %multiple_of3A] : memref<1x320000xi32, #tpu.memory_space<hbm>> -> memref<1x10112xi32, #tpu.memory_space<hbm>>
    %dma_wait3A_56 = tpu.memref_squeeze %dma_wait3A_55 : memref<1x10112xi32, #tpu.memory_space<hbm>> -> memref<10112xi32, #tpu.memory_space<hbm>>
    tpu.wait_dma2 semaphore(%arg16 : memref<!tpu.dma_semaphore, #tpu.memory_space<semaphore_mem>>) src(%dma_wait3A_56 : memref<10112xi32, #tpu.memory_space<hbm>>) dst(%arg8 : memref<10112xi32, #tpu.memory_space<vmem>>)
    %dma_wait3A_57 = arith.constant 0 : i32
    %dma_wait3A_58 = tpu.memref_slice %arg2[%dma_wait3A_57, %multiple_of3A] : memref<1x320000xi32, #tpu.memory_space<hbm>> -> memref<1x10112xi32, #tpu.memory_space<hbm>>
    %dma_wait3A_59 = tpu.memref_squeeze %dma_wait3A_58 : memref<1x10112xi32, #tpu.memory_space<hbm>> -> memref<10112xi32, #tpu.memory_space<hbm>>
    %dma_wait3A_60 = tpu.memref_slice %arg2[%dma_wait3A_57, %multiple_of3A] : memref<1x320000xi32, #tpu.memory_space<hbm>> -> memref<1x10112xi32, #tpu.memory_space<hbm>>
    %dma_wait3A_61 = tpu.memref_squeeze %dma_wait3A_60 : memref<1x10112xi32, #tpu.memory_space<hbm>> -> memref<10112xi32, #tpu.memory_space<hbm>>
    tpu.wait_dma2 semaphore(%arg17 : memref<!tpu.dma_semaphore, #tpu.memory_space<semaphore_mem>>) src(%dma_wait3A_61 : memref<10112xi32, #tpu.memory_space<hbm>>) dst(%arg9 : memref<10112xi32, #tpu.memory_space<vmem>>)
    %dma_wait3A_62 = arith.constant 0 : i32
    %dma_wait3A_63 = tpu.memref_slice %arg4[%dma_wait3A_62, %multiple_of3A] : memref<1x320000xf32, #tpu.memory_space<hbm>> -> memref<1x10112xf32, #tpu.memory_space<hbm>>
    %dma_wait3A_64 = tpu.memref_squeeze %dma_wait3A_63 : memref<1x10112xf32, #tpu.memory_space<hbm>> -> memref<10112xf32, #tpu.memory_space<hbm>>
    %dma_wait3A_65 = tpu.memref_slice %arg4[%dma_wait3A_62, %multiple_of3A] : memref<1x320000xf32, #tpu.memory_space<hbm>> -> memref<1x10112xf32, #tpu.memory_space<hbm>>
    %dma_wait3A_66 = tpu.memref_squeeze %dma_wait3A_65 : memref<1x10112xf32, #tpu.memory_space<hbm>> -> memref<10112xf32, #tpu.memory_space<hbm>>
    tpu.wait_dma2 semaphore(%arg18 : memref<!tpu.dma_semaphore, #tpu.memory_space<semaphore_mem>>) src(%dma_wait3A_66 : memref<10112xf32, #tpu.memory_space<hbm>>) dst(%arg10 : memref<10112xf32, #tpu.memory_space<vmem>>)
    %iota3A = tpu.iota {dimensions = array<i32: 0>} : vector<16xi32>
    %parallel_loop3A_67 = arith.constant 0 : i32
    %parallel_loop3A_68 = arith.constant 625 : i32
    %parallel_loop3A_69 = arith.constant 1 : i32
    scf.for %parallel_loop3A_70 = %parallel_loop3A_67 to %parallel_loop3A_68 step %parallel_loop3A_69  : i32 {
      %parallel_loop3A_71 = arith.constant 16 : i32
      %parallel_loop3A_72 = arith.muli %parallel_loop3A_70, %parallel_loop3A_71 : i32
      %parallel_loop3A_73 = arith.addi %sub3A_21, %parallel_loop3A_72 : i32
      %parallel_loop3A_74 = arith.index_cast %parallel_loop3A_73 : i32 to index
      %parallel_loop3A_75 = tpu.vector_load %arg8[%parallel_loop3A_74] {strides = array<i32>} : memref<10112xi32, #tpu.memory_space<vmem>>, vector<16xi32>,
      %parallel_loop3A_76 = arith.index_cast %parallel_loop3A_73 : i32 to index
      %parallel_loop3A_77 = tpu.vector_load %arg9[%parallel_loop3A_76] {strides = array<i32>} : memref<10112xi32, #tpu.memory_space<vmem>>, vector<16xi32>,
      %parallel_loop3A_78 = arith.index_cast %parallel_loop3A_73 : i32 to index
      %parallel_loop3A_79 = tpu.vector_load %arg10[%parallel_loop3A_78] {strides = array<i32>} : memref<10112xf32, #tpu.memory_space<vmem>>, vector<16xf32>,
      %parallel_loop3A_80 = tpu.vector_load_idx %arg11[%parallel_loop3A_75] : memref<10000xi32, #tpu.memory_space<vmem>>[vector<16xi32>], vector<16xi32>,
      %parallel_loop3A_81 = tpu.vector_load_idx %arg12[%parallel_loop3A_77] : memref<10000xf32, #tpu.memory_space<vmem>>[vector<16xi32>], vector<16xf32>,
      %parallel_loop3A_82 = arith.constant 16 : i32
      %parallel_loop3A_83 = vector.broadcast %parallel_loop3A_82 : i32 to vector<16xi32>
      %parallel_loop3A_84 = arith.muli %parallel_loop3A_80, %parallel_loop3A_83 : vector<16xi32>
      %parallel_loop3A_85 = arith.addi %parallel_loop3A_84, %iota3A : vector<16xi32>
      %parallel_loop3A_86 = arith.addf %parallel_loop3A_81, %parallel_loop3A_79 : vector<16xf32>
      tpu.vector_store_idx %arg13[%parallel_loop3A_85], %parallel_loop3A_86 {add = true} : memref<4096xf32, #tpu.memory_space<vmem>>[vector<16xi32>], vector<16xf32>,
    } {sc.loop_unroll_factor = 25 : i64, sc.parallel_access}
    "tpu.region"() ({
      %run_scoped3A = tpu.sem_alloc : memref<!tpu.dma_semaphore, #tpu.memory_space<semaphore_mem>>
      %dma_start3A_70 = arith.constant 0 : i32
      %dma_start3A_71 = tpu.memref_slice %arg7[%add3A, %dma_start3A_70] : memref<32x4096xf32, #tpu.memory_space<hbm>> -> memref<1x4096xf32, #tpu.memory_space<hbm>>
      %dma_start3A_72 = tpu.memref_squeeze %dma_start3A_71 : memref<1x4096xf32, #tpu.memory_space<hbm>> -> memref<4096xf32, #tpu.memory_space<hbm>>
      %dma_start3A_73 = arith.constant 0 : i32
      %dma_start3A_74 = tpu.memref_slice %arg7[%add3A, %dma_start3A_73] : memref<32x4096xf32, #tpu.memory_space<hbm>> -> memref<1x4096xf32, #tpu.memory_space<hbm>>
      %dma_start3A_75 = tpu.memref_squeeze %dma_start3A_74 : memref<1x4096xf32, #tpu.memory_space<hbm>> -> memref<4096xf32, #tpu.memory_space<hbm>>
      tpu.enqueue_dma source(%arg13 : memref<4096xf32, #tpu.memory_space<vmem>>) target(%dma_start3A_75 : memref<4096xf32, #tpu.memory_space<hbm>>) target_semaphore(%run_scoped3A : memref<!tpu.dma_semaphore, #tpu.memory_space<semaphore_mem>>)
      %dma_wait3A_76 = arith.constant 0 : i32
      %dma_wait3A_77 = tpu.memref_slice %arg7[%add3A, %dma_wait3A_76] : memref<32x4096xf32, #tpu.memory_space<hbm>> -> memref<1x4096xf32, #tpu.memory_space<hbm>>
      %dma_wait3A_78 = tpu.memref_squeeze %dma_wait3A_77 : memref<1x4096xf32, #tpu.memory_space<hbm>> -> memref<4096xf32, #tpu.memory_space<hbm>>
      %dma_wait3A_79 = arith.constant 0 : i32
      %dma_wait3A_80 = tpu.memref_slice %arg7[%add3A, %dma_wait3A_79] : memref<32x4096xf32, #tpu.memory_space<hbm>> -> memref<1x4096xf32, #tpu.memory_space<hbm>>
      %dma_wait3A_81 = tpu.memref_squeeze %dma_wait3A_80 : memref<1x4096xf32, #tpu.memory_space<hbm>> -> memref<4096xf32, #tpu.memory_space<hbm>>
      tpu.wait_dma2 semaphore(%run_scoped3A : memref<!tpu.dma_semaphore, #tpu.memory_space<semaphore_mem>>) src(%arg13 : memref<4096xf32, #tpu.memory_space<vmem>>) dst(%dma_wait3A_81 : memref<4096xf32, #tpu.memory_space<hbm>>)
      tpu.yield
    }) : () -> ()
    return
  }
}

module attributes {stable_mosaic.version = 14 : i64} {
  func.func @_prep_body(%arg0: i32, %arg1: memref<10000x128xf32, #tpu.memory_space<vmem>>, %arg2: memref<16x160000xf32, #tpu.memory_space<vmem>>, %arg3: memref<2x160000xi32, #tpu.memory_space<vmem>>, %arg4: memref<512x144xf32, #tpu.memory_space<vmem>>, %arg5: memref<1x512xf32, #tpu.memory_space<vmem>>, %arg6: memref<50x512xf32, #tpu.memory_space<vmem>>, %arg7: memref<1x50xf32, #tpu.memory_space<vmem>>, %arg8: memref<1x10000xf32, #tpu.memory_space<vmem>>, %arg9: memref<1x160000xf32, #tpu.memory_space<vmem>>, %arg10: memref<1x160000xi32, #tpu.memory_space<vmem>>, %arg11: memref<1x160000xi32, #tpu.memory_space<vmem>>) attributes {dimension_semantics = [#tpu.dimension_semantics<arbitrary>], iteration_bounds = array<i64: 2>, scalar_prefetch = 0 : i64, scratch_operands = 0 : i64, tpu.core_type = #tpu.core_type<tc>, window_params = [{pipeline_mode = #tpu.pipeline_mode<synchronous>, transform_indices = @transform_0, window_bounds = array<i64: 10000, 128>}, {transform_indices = @transform_1, window_bounds = array<i64: 16, 160000>}, {transform_indices = @transform_2, window_bounds = array<i64: 2, 160000>}, {pipeline_mode = #tpu.pipeline_mode<synchronous>, transform_indices = @transform_3, window_bounds = array<i64: 512, 144>}, {pipeline_mode = #tpu.pipeline_mode<synchronous>, transform_indices = @transform_4, window_bounds = array<i64: 1, 512>}, {pipeline_mode = #tpu.pipeline_mode<synchronous>, transform_indices = @transform_5, window_bounds = array<i64: 50, 512>}, {pipeline_mode = #tpu.pipeline_mode<synchronous>, transform_indices = @transform_6, window_bounds = array<i64: 1, 50>}, {pipeline_mode = #tpu.pipeline_mode<synchronous>, transform_indices = @transform_7, window_bounds = array<i64: 1, 10000>}, {transform_indices = @transform_8, window_bounds = array<i64: 1, 160000>}, {transform_indices = @transform_9, window_bounds = array<i64: 1, 160000>}, {transform_indices = @transform_10, window_bounds = array<i64: 1, 160000>}]} {
    %get3A = arith.constant 0 : index
    %get3A_0 = arith.constant 0 : index
    %get3A_1 = vector.load %arg7[%get3A, %get3A_0] : memref<1x50xf32, #tpu.memory_space<vmem>>, vector<1x50xf32>
    %get3A_2 = arith.constant 0 : index
    %get3A_3 = arith.constant 0 : index
    %get3A_4 = vector.load %arg6[%get3A_2, %get3A_3] : memref<50x512xf32, #tpu.memory_space<vmem>>, vector<50x512xf32>
    %dot_general3A = arith.constant dense<0.000000e+00> : vector<1x512xf32>
    %dot_general3A_5 = tpu.matmul %get3A_1, %get3A_4, %dot_general3A {dimension_numbers = #tpu.dot_dimension_numbers<[1], [0], [0], [1], [0, 0, 1, 1], [], []>, precision = #tpu.contract_precision<fp32>, transpose_lhs_hint = false} : vector<1x50xf32>, vector<50x512xf32>, vector<1x512xf32> -> vector<1x512xf32>
    %get3A_6 = arith.constant 0 : index
    %get3A_7 = arith.constant 0 : index
    %get3A_8 = vector.load %arg4[%get3A_6, %get3A_7] : memref<512x144xf32, #tpu.memory_space<vmem>>, vector<512x144xf32>
    %dot_general3A_9 = arith.constant dense<0.000000e+00> : vector<1x144xf32>
    %dot_general3A_10 = tpu.matmul %dot_general3A_5, %get3A_8, %dot_general3A_9 {dimension_numbers = #tpu.dot_dimension_numbers<[1], [0], [0], [1], [0, 0, 1, 1], [], []>, precision = #tpu.contract_precision<fp32>, transpose_lhs_hint = false} : vector<1x512xf32>, vector<512x144xf32>, vector<1x144xf32> -> vector<1x144xf32>
    %get3A_11 = arith.constant 0 : index
    %get3A_12 = arith.constant 0 : index
    %get3A_13 = vector.load %arg5[%get3A_11, %get3A_12] : memref<1x512xf32, #tpu.memory_space<vmem>>, vector<1x512xf32>
    %mul3A = arith.mulf %dot_general3A_5, %get3A_13 : vector<1x512xf32>
    %reduce_sum3A = vector.shape_cast %mul3A : vector<1x512xf32> to vector<1x1x512xf32>
    %reduce_sum3A_14 = arith.constant dense<0.000000e+00> : vector<1xf32>
    %reduce_sum3A_15 = vector.multi_reduction <add>, %reduce_sum3A, %reduce_sum3A_14 [1, 2] : vector<1x1x512xf32> to vector<1xf32>
    %reduce_sum3A_16 = vector.shape_cast %reduce_sum3A_15 : vector<1xf32> to vector<1x1x1xf32>
    %reduce_sum3A_17 = vector.extract %reduce_sum3A_16[0, 0, 0] : f32 from vector<1x1x1xf32>
    %slice3A = vector.extract_strided_slice %dot_general3A_10 {offsets = [0, 128], sizes = [1, 16], strides = [1, 1]} : vector<1x144xf32> to vector<1x16xf32>
    %get3A_18 = arith.constant 0 : index
    %get3A_19 = arith.constant 0 : index
    %get3A_20 = vector.load %arg2[%get3A_18, %get3A_19] : memref<16x160000xf32, #tpu.memory_space<vmem>>, vector<16x160000xf32>
    %dot_general3A_21 = arith.constant dense<0.000000e+00> : vector<1x160000xf32>
    %dot_general3A_22 = tpu.matmul %slice3A, %get3A_20, %dot_general3A_21 {dimension_numbers = #tpu.dot_dimension_numbers<[1], [0], [0], [1], [0, 0, 1, 1], [], []>, transpose_lhs_hint = false} : vector<1x16xf32>, vector<16x160000xf32>, vector<1x160000xf32> -> vector<1x160000xf32>
    %add3A = vector.broadcast %reduce_sum3A_17 : f32 to vector<1x160000xf32>
    %add3A_23 = arith.addf %dot_general3A_22, %add3A : vector<1x160000xf32>
    %swap3A = arith.constant 0 : index
    %swap3A_24 = arith.constant 0 : index
    %swap3A_25 = vector.load %arg9[%swap3A, %swap3A_24] : memref<1x160000xf32, #tpu.memory_space<vmem>>, vector<1x160000xf32>
    tpu.vector_store %arg9[%swap3A, %swap3A_24], %add3A_23 {strides = array<i32>} : memref<1x160000xf32, #tpu.memory_space<vmem>>, vector<1x160000xf32>,
    %get3A_26 = arith.constant 0 : index
    %get3A_27 = arith.constant 0 : index
    %get3A_28 = vector.load %arg3[%get3A_26, %get3A_27] : memref<2x160000xi32, #tpu.memory_space<vmem>>, vector<2x160000xi32>
    %slice3A_29 = vector.extract_strided_slice %get3A_28 {offsets = [0, 0], sizes = [1, 160000], strides = [1, 1]} : vector<2x160000xi32> to vector<1x160000xi32>
    %swap3A_30 = arith.constant 0 : index
    %swap3A_31 = arith.constant 0 : index
    %swap3A_32 = vector.load %arg10[%swap3A_30, %swap3A_31] : memref<1x160000xi32, #tpu.memory_space<vmem>>, vector<1x160000xi32>
    tpu.vector_store %arg10[%swap3A_30, %swap3A_31], %slice3A_29 {strides = array<i32>} : memref<1x160000xi32, #tpu.memory_space<vmem>>, vector<1x160000xi32>,
    %slice3A_33 = vector.extract_strided_slice %get3A_28 {offsets = [1, 0], sizes = [1, 160000], strides = [1, 1]} : vector<2x160000xi32> to vector<1x160000xi32>
    %swap3A_34 = arith.constant 0 : index
    %swap3A_35 = arith.constant 0 : index
    %swap3A_36 = vector.load %arg11[%swap3A_34, %swap3A_35] : memref<1x160000xi32, #tpu.memory_space<vmem>>, vector<1x160000xi32>
    tpu.vector_store %arg11[%swap3A_34, %swap3A_35], %slice3A_33 {strides = array<i32>} : memref<1x160000xi32, #tpu.memory_space<vmem>>, vector<1x160000xi32>,
    %eq3A = arith.constant 0 : i32
    %eq3A_37 = arith.cmpi eq, %arg0, %eq3A : i32
    %convert_element_type3A = arith.extui %eq3A_37 : i1 to i32
    %cond3A = arith.constant 0 : i32
    %cond3A_38 = arith.cmpi ne, %convert_element_type3A, %cond3A : i32
    scf.if %cond3A_38 {
      %slice3A_39 = vector.extract_strided_slice %dot_general3A_10 {offsets = [0, 0], sizes = [1, 128], strides = [1, 1]} : vector<1x144xf32> to vector<1x128xf32>
      %get3A_40 = arith.constant 0 : index
      %get3A_41 = arith.constant 0 : index
      %get3A_42 = vector.load %arg1[%get3A_40, %get3A_41] : memref<10000x128xf32, #tpu.memory_space<vmem>>, vector<10000x128xf32>
      %dot_general3A_43 = arith.constant dense<0.000000e+00> : vector<1x10000xf32>
      %dot_general3A_44 = tpu.matmul %slice3A_39, %get3A_42, %dot_general3A_43 {dimension_numbers = #tpu.dot_dimension_numbers<[1], [1], [0], [0], [0, 0, 1, 0], [], []>, transpose_lhs_hint = false} : vector<1x128xf32>, vector<10000x128xf32>, vector<1x10000xf32> -> vector<1x10000xf32>
      %swap3A_45 = arith.constant 0 : index
      %swap3A_46 = arith.constant 0 : index
      %swap3A_47 = vector.load %arg8[%swap3A_45, %swap3A_46] : memref<1x10000xf32, #tpu.memory_space<vmem>>, vector<1x10000xf32>
      tpu.vector_store %arg8[%swap3A_45, %swap3A_46], %dot_general3A_44 {strides = array<i32>} : memref<1x10000xf32, #tpu.memory_space<vmem>>, vector<1x10000xf32>,
    } else {
    }
    return
  }
  func.func @transform_0(%arg0: i32) -> (i32, i32) {
    %c0_i32 = arith.constant 0 : i32
    %c0_i32_0 = arith.constant 0 : i32
    %c0_i32_1 = arith.constant 0 : i32
    return %c0_i32, %c0_i32_0 : i32, i32
  }
  func.func @transform_1(%arg0: i32) -> (i32, i32) {
    %c0_i32 = arith.constant 0 : i32
    %c0_i32_0 = arith.constant 0 : i32
    return %c0_i32, %arg0 : i32, i32
  }
  func.func @transform_2(%arg0: i32) -> (i32, i32) {
    %c0_i32 = arith.constant 0 : i32
    %c0_i32_0 = arith.constant 0 : i32
    return %c0_i32, %arg0 : i32, i32
  }
  func.func @transform_3(%arg0: i32) -> (i32, i32) {
    %c0_i32 = arith.constant 0 : i32
    %c0_i32_0 = arith.constant 0 : i32
    %c0_i32_1 = arith.constant 0 : i32
    return %c0_i32, %c0_i32_0 : i32, i32
  }
  func.func @transform_4(%arg0: i32) -> (i32, i32) {
    %c0_i32 = arith.constant 0 : i32
    %c0_i32_0 = arith.constant 0 : i32
    %c0_i32_1 = arith.constant 0 : i32
    return %c0_i32, %c0_i32_0 : i32, i32
  }
  func.func @transform_5(%arg0: i32) -> (i32, i32) {
    %c0_i32 = arith.constant 0 : i32
    %c0_i32_0 = arith.constant 0 : i32
    %c0_i32_1 = arith.constant 0 : i32
    return %c0_i32, %c0_i32_0 : i32, i32
  }
  func.func @transform_6(%arg0: i32) -> (i32, i32) {
    %c0_i32 = arith.constant 0 : i32
    %c0_i32_0 = arith.constant 0 : i32
    %c0_i32_1 = arith.constant 0 : i32
    return %c0_i32, %c0_i32_0 : i32, i32
  }
  func.func @transform_7(%arg0: i32) -> (i32, i32) {
    %c0_i32 = arith.constant 0 : i32
    %c0_i32_0 = arith.constant 0 : i32
    %c0_i32_1 = arith.constant 0 : i32
    return %c0_i32, %c0_i32_0 : i32, i32
  }
  func.func @transform_8(%arg0: i32) -> (i32, i32) {
    %c0_i32 = arith.constant 0 : i32
    %c0_i32_0 = arith.constant 0 : i32
    return %c0_i32, %arg0 : i32, i32
  }
  func.func @transform_9(%arg0: i32) -> (i32, i32) {
    %c0_i32 = arith.constant 0 : i32
    %c0_i32_0 = arith.constant 0 : i32
    return %c0_i32, %arg0 : i32, i32
  }
  func.func @transform_10(%arg0: i32) -> (i32, i32) {
    %c0_i32 = arith.constant 0 : i32
    %c0_i32_0 = arith.constant 0 : i32
    return %c0_i32, %arg0 : i32, i32
  }
}

module attributes {stable_mosaic.version = 14 : i64} {
  func.func @_finish_body(%arg0: memref<32x4096xf32, #tpu.memory_space<vmem>>, %arg1: memref<1x50xf32, #tpu.memory_space<vmem>>, %arg2: memref<1x50xf32, #tpu.memory_space<vmem>>, %arg3: memref<1x1xf32, #tpu.memory_space<vmem>>, %arg4: memref<1x256xf32, #tpu.memory_space<vmem>>) attributes {dimension_semantics = [], scalar_prefetch = 0 : i64, scratch_operands = 0 : i64, tpu.core_type = #tpu.core_type<tc>} {
    %get3A = arith.constant 0 : index
    %get3A_0 = arith.constant 0 : index
    %get3A_1 = vector.load %arg0[%get3A, %get3A_0] : memref<32x4096xf32, #tpu.memory_space<vmem>>, vector<32x4096xf32>
    %reduce_sum3A = arith.constant dense<0.000000e+00> : vector<4096xf32>
    %reduce_sum3A_2 = vector.multi_reduction <add>, %get3A_1, %reduce_sum3A [0] : vector<32x4096xf32> to vector<4096xf32>
    %broadcast_in_dim3A = vector.shape_cast %reduce_sum3A_2 : vector<4096xf32> to vector<1x4096xf32>
    %iota3A = tpu.iota {dimensions = array<i32: 0>} : vector<4096x256xi32>
    %iota3A_3 = tpu.iota {dimensions = array<i32: 1>} : vector<4096x256xi32>
    %jit3A = arith.constant 16 : i32
    %div3A = vector.broadcast %jit3A : i32 to vector<4096x256xi32>
    %div3A_4 = arith.divsi %iota3A, %div3A : vector<4096x256xi32>
    %sign3A = arith.constant 0 : i32
    %sign3A_5 = vector.broadcast %sign3A : i32 to vector<4096x256xi32>
    %sign3A_6 = arith.cmpi sgt, %iota3A, %sign3A_5 : vector<4096x256xi32>
    %sign3A_7 = arith.extui %sign3A_6 : vector<4096x256xi1> to vector<4096x256xi32>
    %sign3A_8 = arith.constant 0 : i32
    %sign3A_9 = vector.broadcast %sign3A_8 : i32 to vector<4096x256xi32>
    %sign3A_10 = arith.cmpi slt, %iota3A, %sign3A_9 : vector<4096x256xi32>
    %sign3A_11 = arith.extui %sign3A_10 : vector<4096x256xi1> to vector<4096x256xi32>
    %sign3A_12 = arith.subi %sign3A_7, %sign3A_11 : vector<4096x256xi32>
    %sign3A_13 = arith.constant 0 : i32
    %sign3A_14 = arith.cmpi sgt, %jit3A, %sign3A_13 : i32
    %sign3A_15 = arith.extui %sign3A_14 : i1 to i32
    %sign3A_16 = arith.constant 0 : i32
    %sign3A_17 = arith.cmpi slt, %jit3A, %sign3A_16 : i32
    %sign3A_18 = arith.extui %sign3A_17 : i1 to i32
    %sign3A_19 = arith.subi %sign3A_15, %sign3A_18 : i32
    %ne3A = vector.broadcast %sign3A_19 : i32 to vector<4096x256xi32>
    %ne3A_20 = arith.cmpi ne, %sign3A_12, %ne3A : vector<4096x256xi32>
    %rem3A = vector.broadcast %jit3A : i32 to vector<4096x256xi32>
    %rem3A_21 = arith.remsi %iota3A, %rem3A : vector<4096x256xi32>
    %ne3A_22 = arith.constant 0 : i32
    %ne3A_23 = vector.broadcast %ne3A_22 : i32 to vector<4096x256xi32>
    %ne3A_24 = arith.cmpi ne, %rem3A_21, %ne3A_23 : vector<4096x256xi32>
    %and3A = arith.andi %ne3A_20, %ne3A_24 : vector<4096x256xi1>
    %sub3A = arith.constant 1 : i32
    %sub3A_25 = vector.broadcast %sub3A : i32 to vector<4096x256xi32>
    %sub3A_26 = arith.subi %div3A_4, %sub3A_25 : vector<4096x256xi32>
    %select_n3A = arith.select %and3A, %sub3A_26, %div3A_4 : vector<4096x256xi1>, vector<4096x256xi32>
    %eq3A = arith.cmpi eq, %select_n3A, %iota3A_3 : vector<4096x256xi32>
    %jit3A_27 = arith.constant 1.000000e+00 : f32
    %jit3A_28 = arith.constant 0.000000e+00 : f32
    %broadcast_in_dim3A_29 = vector.broadcast %jit3A_27 : f32 to vector<4096x256xf32>
    %broadcast_in_dim3A_30 = vector.broadcast %jit3A_28 : f32 to vector<4096x256xf32>
    %select_n3A_31 = arith.select %eq3A, %broadcast_in_dim3A_29, %broadcast_in_dim3A_30 : vector<4096x256xi1>, vector<4096x256xf32>
    %dot_general3A = arith.constant dense<0.000000e+00> : vector<1x256xf32>
    %dot_general3A_32 = tpu.matmul %broadcast_in_dim3A, %select_n3A_31, %dot_general3A {dimension_numbers = #tpu.dot_dimension_numbers<[1], [0], [0], [1], [0, 0, 1, 1], [], []>, precision = #tpu.contract_precision<fp32>, transpose_lhs_hint = false} : vector<1x4096xf32>, vector<4096x256xf32>, vector<1x256xf32> -> vector<1x256xf32>
    %get3A_33 = arith.constant 0 : index
    %get3A_34 = arith.constant 0 : index
    %get3A_35 = vector.load %arg1[%get3A_33, %get3A_34] : memref<1x50xf32, #tpu.memory_space<vmem>>, vector<1x50xf32>
    %get3A_36 = arith.constant 0 : index
    %get3A_37 = arith.constant 0 : index
    %get3A_38 = vector.load %arg2[%get3A_36, %get3A_37] : memref<1x50xf32, #tpu.memory_space<vmem>>, vector<1x50xf32>
    %mul3A = arith.mulf %get3A_35, %get3A_38 : vector<1x50xf32>
    %reduce_sum3A_39 = vector.shape_cast %mul3A : vector<1x50xf32> to vector<1x1x50xf32>
    %reduce_sum3A_40 = arith.constant dense<0.000000e+00> : vector<1xf32>
    %reduce_sum3A_41 = vector.multi_reduction <add>, %reduce_sum3A_39, %reduce_sum3A_40 [1, 2] : vector<1x1x50xf32> to vector<1xf32>
    %reduce_sum3A_42 = vector.shape_cast %reduce_sum3A_41 : vector<1xf32> to vector<1x1x1xf32>
    %reduce_sum3A_43 = vector.extract %reduce_sum3A_42[0, 0, 0] : f32 from vector<1x1x1xf32>
    %get3A_44 = arith.constant 0 : index
    %get3A_45 = arith.constant 0 : index
    %get3A_46 = vector.load %arg3[%get3A_44, %get3A_45] : memref<1x1xf32, #tpu.memory_space<vmem>>, vector<1x1xf32>
    %get3A_47 = vector.extract %get3A_46[0, 0] : f32 from vector<1x1xf32>
    %add3A = arith.addf %reduce_sum3A_43, %get3A_47 : f32
    %add3A_48 = vector.broadcast %add3A : f32 to vector<1x256xf32>
    %add3A_49 = arith.addf %dot_general3A_32, %add3A_48 : vector<1x256xf32>
    %swap3A = arith.constant 0 : index
    %swap3A_50 = arith.constant 0 : index
    %swap3A_51 = vector.load %arg4[%swap3A, %swap3A_50] : memref<1x256xf32, #tpu.memory_space<vmem>>, vector<1x256xf32>
    tpu.vector_store %arg4[%swap3A, %swap3A_50], %add3A_49 {strides = array<i32>} : memref<1x256xf32, #tpu.memory_space<vmem>>, vector<1x256xf32>,
    return
  }
}

</mosaic_0001>

<sc_bundles>
// kernel: kernel.5.cloned.1.call-start
scs
__scs_entry_jumppad:
0x0: {  	(pc) =	sbr.rel $0x88, $3  }
0x1: {  	(tag) =	ssettag $0x0;
	lr =	simm.s32 $0x1  }
0x2: {  	[smem:$0x3F97] =	sst lr;
	_ =	strace $0xD0000000  }
0x3: {  	_ = 	snop  }
0x4: {  	_ = 	snop  }
0x5: {  	_ = 	snop  }
0x6: {  	_ = 	snop  }
0x7: {  	_ = 	snop  }
__scs_overlays_trampoline_lowered:
0x8: {  	[smem:$0x3FA6] =	sst s0  }
0x9: {  	[smem:$0x3FA7] =	sst s1  }
0xa: {  	[smem:$0x3FA8] =	sst s2  }
0xb: {  	[smem:$0x3FA9] =	sst s3  }
0xc: {  	[smem:$0x3FAA] =	sst s4  }
0xd: {  	[smem:$0x3FAB] =	sst s5  }
0xe: {  	[smem:$0x3FAC] =	sst s6  }
0xf: {  	[smem:$0x3FAD] =	sst s7  }
0x10: {  	[smem:$0x3FAE] =	sst s8  }
0x11: {  	[smem:$0x3FAF] =	sst s9;
	s0 =	simm.s32 @!p0 $0x0  }
0x12: {  	s1 =	sld [smem:$0x3F95];
	s0 =	simm.s32 @p0 $0x1  }
0x13: {  	[smem:$0x3FB0] =	sst s0;
	s0 =	simm.s32 @!p1 $0x0  }
0x14: {  	s2 =	sld [smem:$0x3F94];
	s0 =	simm.s32 @p1 $0x1  }
0x15: {  	[smem:$0x3FB1] =	sst s0;
	s0 =	simm.s32 @!p2 $0x0  }
0x16: {  	s3 =	sld [smem:$0x3FDB];
	s0 =	simm.s32 @p2 $0x1  }
0x17: {  	s4 =	simm.s32 $0x1BF5;
	[smem:$0x3FB3] =	sst s0  }
0x18: {  	s0 =	sld [smem:$0x3F96];
	_ =	swait.ge [sflag:s4], $0x0  }
0x19: {  	s7 =	sld [smem:$0x3F97]  }
0x1a: {  	s8 =	sadd.s32 $0xFFFFE003, lr  }
0x1b: {  	s9 =	sadd.s32 $0xFFFFFEF7, lr;
	s5 =	simm.s32 $0xFFFFFFFF;
	p2 =	slt.u32 s8, $0xFFFFF086  }
0x1c: {  	p1 =	slt.u32 s9, $0xF7A;
	s5 =	simm.s32 @!p2 $0x0  }
0x1d: {  	s5 =	simm.s32 @p1 $0x1;
	p0 =	seq.s32 s7, s2  }
0x1e: {  	s7 =	smul.u32 @!p0 $0xF7A, s2;
	p2 =	seq.s32 @!p0 s5, $0x0  }
0x1f: {  	s9 =	smul.u32 $0xF7A, s1;
	s8 =	simm.s32 @!p0 $0x1BF5;
	p2 =	por !p2, p0  }
0x20: {  	[sflag:s8] =	ssyncset.s32 @!p0 $0xFFFFF086;
	s6 =	sadd.s32 @!p0 s3, s7;
	s7 =	simm.s32 @!p0 $0x108  }
0x21: {  	s3 =	sadd.s32 s3, s9;
	s6 =	sadd.s32 @!p0 $0x88, s6;
	s7 =	simm.s32 @p2 $0x1082  }
0x22: {  	[simem:s7], [sflag:s8] =	dma.local @!p0 [hbm:s6], $0xF7A  }
0x23: {  	s9 =	sor.u32 $0xD0000000, s2;
	s6 =	simm.s32 $0x108;
	_ =	swait.ge @!p0 [sflag:s8], $0x0  }
0x24: {  	s3 =	sadd.s32 $0x88, s3;
	s6 =	simm.s32 @!p1 $0x1082;
	[sflag:s4] =	ssyncset.s32 $0xFFFFF086  }
0x25: {  	[simem:s6], [sflag:s4] =	dma.local [hbm:s3], $0xF7A  }
0x26: {  	[smem:$0x3F97] =	sst s1;
	(tag) =	ssettag s2;
	_ =	strace s9  }
0x27: {  	s1 =	sld [smem:$0x3FA7]  }
0x28: {  	s2 =	sld [smem:$0x3FA8]  }
0x29: {  	s4 =	sld [smem:$0x3FAA]  }
0x2a: {  	p0 =	seq.s32 s5, $0x0;
	s5 =	sld [smem:$0x3FAB]  }
0x2b: {  	s6 =	sld [smem:$0x3FAC]  }
0x2c: {  	s7 =	sld [smem:$0x3FAD]  }
0x2d: {  	s3 =	simm.s32 $0x108;
	s8 =	sld [smem:$0x3FAE]  }
0x2e: {  	s3 =	simm.s32 @!p0 $0x1082;
	s9 =	sld [smem:$0x3FAF]  }
0x2f: {  	lr =	sadd.s32 s0, s3;
	s0 =	sld [smem:$0x3FA6]  }
0x30: {  	s3 =	sld [smem:$0x3FA9]  }
0x31: {  	[smem:$0x3FB2] =	sst s10  }
0x32: {  	s10 =	sld [smem:$0x3FB0];
	_ =	sdelay $0x3  }
0x33: {  	p0 =	seq.s32 s10, $0x1;
	s10 =	sld [smem:$0x3FB2];
	_ =	sdelay $0x3  }
0x34: {  	[smem:$0x3FB2] =	sst s10  }
0x35: {  	s10 =	sld [smem:$0x3FB1];
	_ =	sdelay $0x3  }
0x36: {  	p1 =	seq.s32 s10, $0x1;
	s10 =	sld [smem:$0x3FB2];
	_ =	sdelay $0x3  }
0x37: {  	[smem:$0x3FB2] =	sst s10  }
0x38: {  	s10 =	sld [smem:$0x3FB3]  }
0x39: {  	_ = 	snop;
	(pc) =	sbr.ind lr, $3  }
0x3a: {  	_ = 	snop  }
0x3b: {  	_ = 	snop  }
0x3c: {  	p2 =	seq.s32 s10, $0x1;
	s10 =	sld [smem:$0x3FB2]  }
0x3d: {  	_ =	shalt  }
0x3e: {  	_ =	shalt  }
0x3f: {  	_ =	shalt  }
0x40: {  	_ =	shalt  }
0x41: {  	_ =	shalt  }
0x42: {  	_ =	shalt  }
0x43: {  	_ =	shalt  }
0x44: {  	_ =	shalt  }
0x45: {  	_ =	shalt  }
0x46: {  	_ =	shalt  }
0x47: {  	_ =	shalt  }
0x48: {  	_ =	shalt  }
0x49: {  	_ =	shalt  }
0x4a: {  	_ =	shalt  }
0x4b: {  	_ =	shalt  }
0x4c: {  	_ =	shalt  }
0x4d: {  	_ =	shalt  }
0x4e: {  	_ =	shalt  }
0x4f: {  	_ =	shalt  }
0x50: {  	_ =	shalt  }
0x51: {  	_ =	shalt  }
0x52: {  	_ =	shalt  }
0x53: {  	_ =	shalt  }
0x54: {  	_ =	shalt  }
0x55: {  	_ =	shalt  }
0x56: {  	_ =	shalt  }
0x57: {  	_ =	shalt  }
0x58: {  	_ =	shalt  }
0x59: {  	_ =	shalt  }
0x5a: {  	_ =	shalt  }
0x5b: {  	_ =	shalt  }
0x5c: {  	_ =	shalt  }
0x5d: {  	_ =	shalt  }
0x5e: {  	_ =	shalt  }
0x5f: {  	_ =	shalt  }
0x60: {  	_ =	shalt  }
0x61: {  	_ =	shalt  }
0x62: {  	_ =	shalt  }
0x63: {  	_ =	shalt  }
0x64: {  	_ =	shalt  }
0x65: {  	_ =	shalt  }
0x66: {  	_ =	shalt  }
0x67: {  	_ =	shalt  }
0x68: {  	_ =	shalt  }
0x69: {  	_ =	shalt  }
0x6a: {  	_ =	shalt  }
0x6b: {  	_ =	shalt  }
0x6c: {  	_ =	shalt  }
0x6d: {  	_ =	shalt  }
0x6e: {  	_ =	shalt  }
0x6f: {  	_ =	shalt  }
0x70: {  	_ =	shalt  }
0x71: {  	_ =	shalt  }
0x72: {  	_ =	shalt  }
0x73: {  	_ =	shalt  }
0x74: {  	_ =	shalt  }
0x75: {  	_ =	shalt  }
0x76: {  	_ =	shalt  }
0x77: {  	_ =	shalt  }
0x78: {  	_ =	shalt  }
0x79: {  	_ =	shalt  }
0x7a: {  	_ =	shalt  }
0x7b: {  	_ =	shalt  }
0x7c: {  	_ =	shalt  }
0x7d: {  	_ =	shalt  }
0x7e: {  	_ =	shalt  }
0x7f: {  	_ =	shalt  }
0x80: {  	_ =	shalt  }
0x81: {  	_ =	shalt  }
0x82: {  	_ =	shalt  }
0x83: {  	_ =	shalt  }
0x84: {  	_ =	shalt  }
0x85: {  	_ =	shalt  }
0x86: {  	_ =	shalt  }
0x87: {  	_ =	shalt  }
.Lfunc_end0:
.L_simem_size_0:
called_computation_lowered:
.L_overlay_start_0:
0x88: {  	s2 =	sld [smem:$0x3FD9]  }
0x89: {  	s3 =	sld [smem:$0x3FFE];
	_ =	sdelay $0x1  }
0x8a: {  	s1 =	srdreg.scid  }
0x8b: {  	s0 =	sand.u32 $0x1, s1  }
0x8c: {  	s17 =	sshll.u32 s0, $0xA;
	s2 =	sadd.s32 s3, s2  }
0x8d: {  	s2 =	sadd.s32 s2, s17  }
0x8e: {  	[smem:$0x3FBE] =	sst s2  }
0x8f: {  	_ = 	snop  }
0x90: {  	s2 =	sld [smem:$0x3FC6];
	(tm) =	ssettm $0x1  }
0x91: {  	s18 =	sld [smem:$0x3FFB];
	_ =	sdelay $0x3  }
0x92: {  	_ =	strace s18  }
0x93: {  	s3 =	sld [smem:$0x3FFC];
	_ =	sdelay $0x3  }
0x94: {  	_ =	strace s3  }
0x95: {  	s3 =	sld [smem:$0x3FFD];
	_ =	sdelay $0x3  }
0x96: {  	_ =	strace s3  }
0x97: {  	_ =	strace $0x8FFFFFFF  }
0x98: {  	s19 =	sld [smem:$0x3FDB];
	_ =	sdelay $0x1  }
0x99: {  	s4 =	simm.s32 $_scs_section_size  }
0x9a: {  	s5 =	simm.s32 $_size__tile_overlayer_lowered;
	s6 =	simm.s32 $_tile_overlayer_lowered  }
0x9b: {  	s22 =	simm.s32 $0x1BFF;
	s21 =	sshll.u32 s6, $0x1;
	s3 =	sadd.s32 s4, s19  }
0x9c: {  	s7 =	simm.s32 $0x0;
	s20 =	sshll.u32 s5, $0x1;
	s5 =	sadd.s32 s21, s3  }
0x9d: {  	[timem:s7], [sflag:s22] =	dma.local [hbm:s5], s20  }
0x9e: {  	_ =	swait.ge [sflag:s22], s20  }
0x9f: {  	s4 =	ssub.s32 $0x0, s20;
	[sflag:s22] =	ssyncset.done $0x0  }
0xa0: {  	[sflag:s22] =	ssyncadd.s32 s4;
	_ =	sdelay $0x1  }
0xa1: {  	s23 =	simm.s32 $0x1B8B  }
0xa2: {  	_ =	swait.ge [sflag:s23], $0x1  }
0xa3: {  	[sflag:s23] =	ssyncset.done $0x0  }
0xa4: {  	s25 =	simm.s32 $0x1B8E;
	s24 =	sld [smem:$0x3FFE];
	[sflag:s23] =	ssyncadd.s32 $0xFFFFFFFF  }
0xa5: {  	s26 =	simm.s32 $execute0_lowered;
	[smem:$0x3FD2] =	sst s25  }
0xa6: {  	s5 =	sshll.u32 s26, $0x1;
	_ =	strace $0x80000046;
	[dreg:$0x1] =	wrdreg $0xFFFFFFFF  }
0xa7: {  	s28 =	simm.s32 $_size_execute0_lowered;
	s3 =	sadd.s32 s3, s5;
	[dreg:$0x0] =	wrdreg $0x0  }
0xa8: {  	s5 =	sshll.u32 s28, $0x1;
	[dreg:$0x2] =	wrdreg s3  }
0xa9: {  	[dreg:$0x3] =	wrdreg s5  }
0xaa: {  	[dreg:$0x4] =	wrdreg $0xC0  }
0xab: {  	_ =	task [dreg:s7], $0x5FFFF  }
0xac: {  	[dreg:$0x1] =	wrdreg $0xFFFFFFFF  }
0xad: {  	[dreg:$0x0] =	wrdreg $0x60  }
0xae: {  	[dreg:$0x2] =	wrdreg s24  }
0xaf: {  	[dreg:$0x3] =	wrdreg s2  }
0xb0: {  	[dreg:$0x4] =	wrdreg $0x9  }
0xb1: {  	_ =	task.clear_ibuf [dreg:s7], $0x5FFFF;
	_ =	strace $0x90000046  }
0xb2: {  	s29 =	simm.s32 $0x9;
	_ =	strace $0x80000048  }
0xb3: {  	_ =	swait.ge [sflag:s29], $0x1  }
0xb4: {  	[sflag:s29] =	ssyncadd.s32 $0xFFFFFFFF  }
0xb5: {  	_ =	strace $0x90000048  }
0xb6: {  	_ =	sfence  }
0xb7: {  	s30 =	sld [smem:$0x0];
	_ =	sdelay $0x2  }
0xb8: {  	s31 =	sshll.u32 s1, $0xD;
	s1 =	sshrl.u32 s1, $0x2  }
0xb9: {  	s3 =	sand.u32 $0x4000, s31;
	s1 =	sadd.s32 s1, s30  }
0xba: {  	s0 =	sor.u32 s3, s0;
	s1 =	sshll.u32 s1, $0x11  }
0xbb: {  	s0 =	sor.u32 s1, s0  }
0xbc: {  	s0 =	sadd.s32 $0x8F2B, s0  }
0xbd: {  	[sflag:s0] =	ssyncadd.remote.s32 $0x1  }
0xbe: {  	_ =	sfence.sel $0xFFFF  }
0xbf: {  	[dreg:$0x0] =	wrdreg $0xFFFFFFFF;
	(pc) =	sbr.abs _section_cstart, $3  }
0xc0: {  	[dreg:$0x1] =	wrdreg $0xFFFFFFFF  }
0xc1: {  	_ =	task.clear_ibuf [dreg:s7], $0x2FFFF;
	_ =	strace $0x9FFFFFFF  }
0xc2: {  	(tm) =	ssettm $0x7FFFFFFF  }
0xc3: {  	_ =	shalt  }
tec
execute0_lowered:
.L_overlay_start_1:
0x0: {  	(tag) =	ssettag $0x1  }
0x1: {  	s1 =	srdreg.scid  }
0x2: {  	s0 =	stileid.u32;
	s6 =	rddreg [dreg:$0x0]  }
0x3: {  	s2 =	rddreg [dreg:$0x1];
	s3 =	simm.s32 $0x0;
	s13 =	simm.s32 $0x7680  }
0x4: {  	s14 =	simm.s32 $0x9E00;
	s15 =	simm.s32 $0x2780;
	s16 =	simm.s32 $0x4F00  }
0x5: {  	s17 =	simm.s32 $0x1;
	s18 =	simm.s32 $0x2;
	s19 =	simm.s32 $0x3  }
0x6: {  	s20 =	simm.s32 $0x4;
	s21 =	simm.s32 $0x5;
	s22 =	simm.s32 $0xC580  }
0x7: {  	s23 =	simm.s32 $0x80;
	s24 =	simm.s32 $0x400;
	s25 =	simm.s32 $0x6  }
0x8: {  	s26 =	simm.s32 $0x0;
	s5 =	sand.u32 $0x1, s1;
	s1 =	rddreg [dreg:$0x2]  }
0x9: {  	s30 =	sshll.u32 s0, $0x1;
	[smem:$0x7FF] =	sst s3;
	s8 =	sshll.u32 s0, $0xA  }
0xa: {  	s10 =	smul.u32 $0x4E20, s0;
	s7 =	sor.u32 s5, s30;
	_ =	strace $0x80000047  }
0xb: {  	s8 =	sand.u32 $0x3000, s8;
	s31 =	ssub.s32 $0x2, s5;
	s12 =	smul.u32 $0x2710, s5  }
0xc: {  	s4 =	smul.u32 $0x2710, s7;
	s11 =	sshrl.u32 s31, $0x1;
	s7 =	sshll.u32 s7, $0x4  }
0xd: {  	s8 =	sadd.s32 s8, s6;
	s11 =	ssub.s32 s31, s11;
	s7 =	sand.u32 $0x70, s7  }
0xe: {  	s10 =	sadd.s32 s12, s10;
	s4 =	sshrl.u32 s4, $0x3;
	s8 =	sadd.s32 s7, s8  }
0xf: {  	s12 =	sand.u32 $0x70, s10;
	s4 =	sand.u32 $0xFFF0, s4;
	s8 =	sadd.s32 $0x1FC00, s8  }
0x10: {  	s10 =	sadd.s32 $0xC0, s12;
	s9 =	sadd.s32 s4, s6;
	s4 =	sadd.s32 $0x1F600, s6  }
0x11: {  	s5 =	sadd.s32 $0x15800, s9;
	s6 =	sadd.s32 $0x1C00, s9;
	s7 =	sadd.s32 $0xBA00, s9  }
0x12: {  	v0 =	vimm.f32 $0.0e+00;
	v1 =	vlaneseq.u32;
	s9 =	smax.u32 s11, $0x1;
	s11 =	sadd.s32 $0x2840, s12;
	s12 =	sadd.s32 $0x4FC0, s12  }
.LBB2_1:
0x13: {  	[tilespmem:s13], [sflag:$0x1] =	stream.linear.gather [hbm4b:s2+s3], $0x2780, $0x38;
	[tilespmem:$0xD580] =	vst v63  }
0x14: {  	_ = 	snop  }
0x15: {  	[tilespmem:s14], [sflag:$0x2] =	stream.linear.gather [hbm4b:s4+s3], $0x2780, $0x38;
	[tilespmem:$0xD580] =	vst v63  }
0x16: {  	_ = 	snop  }
0x17: {  	[tilespmem:s3], [sflag:$0x3] =	stream.linear.gather [hbm4b:s5+s3], $0x2780, $0x38;
	[tilespmem:$0xD580] =	vst v63  }
0x18: {  	_ = 	snop  }
0x19: {  	[tilespmem:s15], [sflag:$0x4] =	stream.linear.gather [hbm4b:s6+s3], $0x2780, $0x38;
	[tilespmem:$0xD580] =	vst v63  }
0x1a: {  	s28 =	simm.s32 $0xC5C0  }
0x1b: {  	[tilespmem:s16], [sflag:$0x5] =	stream.linear.gather [hbm4b:s7+s3], $0x2780, $0x38;
	[tilespmem:$0xD580] =	vst v63  }
0x1c: {  	[tilespmem:s28+$0xFFFFFFC0] =	vst v0  }
0x1d: {  	[tilespmem:s28+$0x30] =	vst v0  }
0x1e: {  	[tilespmem:s28+$0x20] =	vst v0  }
0x1f: {  	[tilespmem:s28+$0x10] =	vst v0  }
0x20: {  	[tilespmem:s28+$0x0] =	vst v0  }
0x21: {  	[tilespmem:s28+$0xFFFFFFF0] =	vst v0  }
0x22: {  	s29 =	simm.s32 $0x0;
	[tilespmem:s28+$0xFFFFFFE0] =	vst v0  }
.LBB2_2:
0x23: {  	s29 =	sadd.s32 $0x8, s29;
	[tilespmem:s28+$0xFFFFFFD0] =	vst v0;
	s28 =	sadd.s32 $0x80, s28  }
0x24: {  	[tilespmem:s28+$0xFFFFFFC0] =	vst v0;
	p0 =	slt.u32 s29, $0xF8  }
0x25: {  	[tilespmem:s28+$0x30] =	vst v0  }
.Ltmp0:
0x26: {  	[tilespmem:s28+$0x20] =	vst v0;
	(pc) =	sbr.rel @p0 .LBB2_2-.Ltmp0, $4  }
0x27: {  	[tilespmem:s28+$0x10] =	vst v0  }
0x28: {  	[tilespmem:s28+$0x0] =	vst v0  }
0x29: {  	[tilespmem:s28+$0xFFFFFFF0] =	vst v0  }
0x2a: {  	[tilespmem:s28+$0xFFFFFFE0] =	vst v0  }
0x2b: {  	[tilespmem:s28+$0xFFFFFFD0] =	vst v0  }
0x2c: {  	_ =	swait.ge [sflag:s17], $0x2780  }
0x2d: {  	[sflag:s17] =	ssyncset.done $0x0  }
0x2e: {  	[sflag:s17] =	ssyncadd.s32 $0xFFFFD880  }
0x2f: {  	_ =	swait.ge [sflag:s18], $0x2780  }
0x30: {  	[sflag:s18] =	ssyncset.done $0x0  }
0x31: {  	[sflag:s18] =	ssyncadd.s32 $0xFFFFD880  }
0x32: {  	_ =	swait.ge [sflag:s19], $0x2780  }
0x33: {  	[sflag:s19] =	ssyncset.done $0x0  }
0x34: {  	[sflag:s19] =	ssyncadd.s32 $0xFFFFD880  }
0x35: {  	_ =	swait.ge [sflag:s20], $0x2780  }
0x36: {  	[sflag:s20] =	ssyncset.done $0x0  }
0x37: {  	[sflag:s20] =	ssyncadd.s32 $0xFFFFD880  }
0x38: {  	_ =	swait.ge [sflag:s21], $0x2780  }
0x39: {  	[sflag:s21] =	ssyncset.done $0x0  }
0x3a: {  	[sflag:s21] =	ssyncadd.s32 $0xFFFFD880  }
0x3b: {  	v2 =	vld [tilespmem:s10+$0xC0]  }
0x3c: {  	v3 =	vld [tilespmem:s10+$0xFFFFFF50]  }
0x3d: {  	v4 =	vld [tilespmem:s10+$0xFFFFFF60]  }
0x3e: {  	v5 =	vld [tilespmem:s10+$0xFFFFFF70]  }
0x3f: {  	v6 =	vld [tilespmem:s11+$0xC0]  }
0x40: {  	v7 =	vld [tilespmem:s10+$0xFFFFFF80]  }
0x41: {  	v8 =	vld [tilespmem:s10+$0xFFFFFF90]  }
0x42: {  	v9 =	vld [tilespmem:s10+$0xFFFFFFA0]  }
0x43: {  	v10 =	vld [tilespmem:s10+$0xFFFFFFB0]  }
0x44: {  	v11 =	vld [tilespmem:s10+$0xFFFFFFC0]  }
0x45: {  	v12 =	vld [tilespmem:s10+$0xFFFFFFD0]  }
0x46: {  	v13 =	vld [tilespmem:s12+$0xC0]  }
0x47: {  	v14 =	vld [tilespmem:s10+$0xFFFFFFE0]  }
0x48: {  	v15 =	vld [tilespmem:s10+$0xFFFFFFF0]  }
0x49: {  	v16 =	vld [tilespmem:s10+$0x0]  }
0x4a: {  	v17 =	vld [tilespmem:s10+$0x10]  }
0x4b: {  	v18 =	vld [tilespmem:s10+$0x20]  }
0x4c: {  	v58 =	vld [tilespmem:s10+$0x30]  }
0x4d: {  	v59 =	vld [tilespmem:s10+$0x50]  }
0x4e: {  	v19 =	vld [tilespmem:s10+$0x60]  }
0x4f: {  	v20 =	vld [tilespmem:s10+$0x70]  }
0x50: {  	v21 =	vld [tilespmem:s10+$0x80]  }
0x51: {  	v22 =	vld [tilespmem:s10+$0x90]  }
0x52: {  	v23 =	vld [tilespmem:s10+$0xA0]  }
0x53: {  	v24 =	vld [tilespmem:s10+$0xB0]  }
0x54: {  	v25 =	vld [tilespmem:s10+$0xFFFFFF40]  }
0x55: {  	v26 =	vld [tilespmem:s11+$0xFFFFFF40]  }
0x56: {  	v27 =	vld [tilespmem:s11+$0xFFFFFF50]  }
0x57: {  	v28 =	vld [tilespmem:s11+$0xFFFFFF60]  }
0x58: {  	v29 =	vld [tilespmem:s11+$0xFFFFFF70]  }
0x59: {  	v30 =	vld [tilespmem:s11+$0xFFFFFF80]  }
0x5a: {  	v31 =	vld [tilespmem:s11+$0xFFFFFF90]  }
0x5b: {  	v32 =	vld [tilespmem:s11+$0xFFFFFFA0]  }
0x5c: {  	v33 =	vld [tilespmem:s11+$0xFFFFFFB0]  }
0x5d: {  	v34 =	vld [tilespmem:s11+$0xFFFFFFC0]  }
0x5e: {  	v35 =	vld [tilespmem:s11+$0xFFFFFFD0]  }
0x5f: {  	v36 =	vld [tilespmem:s11+$0xFFFFFFE0]  }
0x60: {  	v37 =	vld [tilespmem:s11+$0xFFFFFFF0]  }
0x61: {  	v38 =	vld [tilespmem:s11+$0x0]  }
0x62: {  	v39 =	vld [tilespmem:s11+$0x10]  }
0x63: {  	v40 =	vld [tilespmem:s11+$0x20]  }
0x64: {  	v41 =	vld [tilespmem:s11+$0x30]  }
0x65: {  	v42 =	vld [tilespmem:s11+$0x40]  }
0x66: {  	v43 =	vld [tilespmem:s11+$0x50]  }
0x67: {  	v44 =	vld [tilespmem:s11+$0x60]  }
0x68: {  	v45 =	vld [tilespmem:s11+$0x70]  }
0x69: {  	v46 =	vld [tilespmem:s11+$0x80]  }
0x6a: {  	v47 =	vld [tilespmem:s11+$0x90]  }
0x6b: {  	v48 =	vld [tilespmem:s11+$0xA0]  }
0x6c: {  	v49 =	vld [tilespmem:s11+$0xB0]  }
0x6d: {  	v51 =	vld [tilespmem:s12+$0xFFFFFF50]  }
0x6e: {  	v52 =	vld [tilespmem:s12+$0xFFFFFF60]  }
0x6f: {  	v53 =	vld [tilespmem:s12+$0xFFFFFF70]  }
0x70: {  	v54 =	vld [tilespmem:s12+$0xFFFFFF80]  }
0x71: {  	v2 =	vld.idx.msk [tilespmem:v2+s13+$0x0], $0xffff  }
0x72: {  	v6 =	vld.idx.msk [tilespmem:v6+s14+$0x0], $0xffff  }
0x73: {  	v25 =	vld.idx.msk [tilespmem:v25+s13+$0x0], $0xffff  }
0x74: {  	v3 =	vld.idx.msk [tilespmem:v3+s13+$0x0], $0xffff  }
0x75: {  	v4 =	vld.idx.msk [tilespmem:v4+s13+$0x0], $0xffff  }
0x76: {  	v5 =	vld.idx.msk [tilespmem:v5+s13+$0x0], $0xffff  }
0x77: {  	v7 =	vld.idx.msk [tilespmem:v7+s13+$0x0], $0xffff  }
0x78: {  	v8 =	vld.idx.msk [tilespmem:v8+s13+$0x0], $0xffff  }
0x79: {  	v9 =	vld.idx.msk [tilespmem:v9+s13+$0x0], $0xffff  }
0x7a: {  	v10 =	vld.idx.msk [tilespmem:v10+s13+$0x0], $0xffff  }
0x7b: {  	v11 =	vld.idx.msk [tilespmem:v11+s13+$0x0], $0xffff  }
0x7c: {  	v12 =	vld.idx.msk [tilespmem:v12+s13+$0x0], $0xffff  }
0x7d: {  	v14 =	vld.idx.msk [tilespmem:v14+s13+$0x0], $0xffff  }
0x7e: {  	v15 =	vld.idx.msk [tilespmem:v15+s13+$0x0], $0xffff  }
0x7f: {  	v16 =	vld.idx.msk [tilespmem:v16+s13+$0x0], $0xffff  }
0x80: {  	v17 =	vld.idx.msk [tilespmem:v17+s13+$0x0], $0xffff  }
0x81: {  	v18 =	vld.idx.msk [tilespmem:v18+s13+$0x0], $0xffff  }
0x82: {  	v19 =	vld.idx.msk [tilespmem:v19+s13+$0x0], $0xffff  }
0x83: {  	v20 =	vld.idx.msk [tilespmem:v20+s13+$0x0], $0xffff  }
0x84: {  	v21 =	vld.idx.msk [tilespmem:v21+s13+$0x0], $0xffff  }
0x85: {  	v22 =	vld.idx.msk [tilespmem:v22+s13+$0x0], $0xffff  }
0x86: {  	v23 =	vld.idx.msk [tilespmem:v23+s13+$0x0], $0xffff  }
0x87: {  	v60 =	vld.idx.msk [tilespmem:v26+s14+$0x0], $0xffff  }
0x88: {  	v61 =	vld.idx.msk [tilespmem:v27+s14+$0x0], $0xffff  }
0x89: {  	v62 =	vld.idx.msk [tilespmem:v28+s14+$0x0], $0xffff  }
0x8a: {  	v63 =	vld.idx.msk [tilespmem:v29+s14+$0x0], $0xffff  }
0x8b: {  	v57 =	vld.idx.msk [tilespmem:v30+s14+$0x0], $0xffff  }
0x8c: {  	v30 =	vld.idx.msk [tilespmem:v31+s14+$0x0], $0xffff  }
0x8d: {  	v31 =	vld.idx.msk [tilespmem:v32+s14+$0x0], $0xffff  }
0x8e: {  	v32 =	vld.idx.msk [tilespmem:v33+s14+$0x0], $0xffff  }
0x8f: {  	v33 =	vld.idx.msk [tilespmem:v34+s14+$0x0], $0xffff  }
0x90: {  	v34 =	vld.idx.msk [tilespmem:v35+s14+$0x0], $0xffff  }
0x91: {  	v35 =	vld.idx.msk [tilespmem:v36+s14+$0x0], $0xffff  }
0x92: {  	v36 =	vld.idx.msk [tilespmem:v37+s14+$0x0], $0xffff  }
0x93: {  	v37 =	vld.idx.msk [tilespmem:v38+s14+$0x0], $0xffff  }
0x94: {  	v38 =	vld.idx.msk [tilespmem:v39+s14+$0x0], $0xffff  }
0x95: {  	v39 =	vld.idx.msk [tilespmem:v40+s14+$0x0], $0xffff  }
0x96: {  	v40 =	vld.idx.msk [tilespmem:v41+s14+$0x0], $0xffff  }
0x97: {  	v41 =	vld.idx.msk [tilespmem:v42+s14+$0x0], $0xffff  }
0x98: {  	v42 =	vld.idx.msk [tilespmem:v43+s14+$0x0], $0xffff  }
0x99: {  	v43 =	vld.idx.msk [tilespmem:v44+s14+$0x0], $0xffff  }
0x9a: {  	v44 =	vld.idx.msk [tilespmem:v45+s14+$0x0], $0xffff  }
0x9b: {  	v45 =	vld.idx.msk [tilespmem:v46+s14+$0x0], $0xffff  }
0x9c: {  	v46 =	vld.idx.msk [tilespmem:v47+s14+$0x0], $0xffff;
	v2 =	vshll.u32 v2, $0x4  }
0x9d: {  	v47 =	vld.idx.msk [tilespmem:v48+s14+$0x0], $0xffff;
	v2 =	vor.u32 v1, v2  }
0x9e: {  	v49 =	vld.idx.msk [tilespmem:v49+s14+$0x0], $0xffff  }
0x9f: {  	v26 =	vld [tilespmem:s12+$0xFFFFFFB0]  }
0xa0: {  	v27 =	vld [tilespmem:s12+$0xFFFFFFE0];
	v6 =	vadd.f32 v6, v13  }
0xa1: {  	v28 =	vld [tilespmem:s12+$0x10]  }
0xa2: {  	[tilespmem:v2+s22+$0x0] =	vst.idx.add.f32.msk $0xffff, v6  }
0xa3: {  	v2 =	vld [tilespmem:s10+$0x40]  }
0xa4: {  	v29 =	vld [tilespmem:s12+$0x40];
	v10 =	vshll.u32 v10, $0x4  }
0xa5: {  	v48 =	vld [tilespmem:s12+$0x80];
	v10 =	vor.u32 v1, v10  }
0xa6: {  	v13 =	vld.idx.msk [tilespmem:v58+s13+$0x0], $0xffff  }
0xa7: {  	v58 =	vld [tilespmem:s12+$0xFFFFFF40]  }
0xa8: {  	v26 =	vadd.f32 v32, v26;
	v6 =	vld.idx.msk [tilespmem:v59+s13+$0x0], $0xffff  }
0xa9: {  	v59 =	vld [tilespmem:s12+$0xFFFFFF90]  }
0xaa: {  	[tilespmem:v10+s22+$0x0] =	vst.idx.add.f32.msk $0xffff, v26  }
0xab: {  	v50 =	vld.idx.msk [tilespmem:v2+s13+$0x0], $0xffff  }
0xac: {  	v25 =	vshll.u32 v25, $0x4;
	v2 =	vld.idx.msk [tilespmem:v24+s13+$0x0], $0xffff  }
0xad: {  	v25 =	vor.u32 v1, v25;
	v24 =	vadd.f32 v60, v58;
	v60 =	vadd.f32 v61, v51;
	v51 =	vld [tilespmem:s12+$0xFFFFFFC0]  }
0xae: {  	v3 =	vshll.u32 v3, $0x4;
	v61 =	vadd.f32 v62, v52;
	v52 =	vld [tilespmem:s12+$0xFFFFFFF0]  }
0xaf: {  	v3 =	vor.u32 v1, v3;
	v62 =	vadd.f32 v63, v53;
	v53 =	vld [tilespmem:s12+$0x20]  }
0xb0: {  	v4 =	vshll.u32 v4, $0x4;
	v63 =	vadd.f32 v57, v54;
	v57 =	vld [tilespmem:s12+$0x50]  }
0xb1: {  	v4 =	vor.u32 v1, v4;
	v58 =	vadd.f32 v30, v59;
	v30 =	vld [tilespmem:s12+$0x70]  }
0xb2: {  	v5 =	vshll.u32 v5, $0x4;
	[tilespmem:v25+s22+$0x0] =	vst.idx.add.f32.msk $0xffff, v24  }
0xb3: {  	v5 =	vor.u32 v1, v5;
	v24 =	vld [tilespmem:s12+$0xFFFFFFA0]  }
0xb4: {  	v7 =	vshll.u32 v7, $0x4;
	[tilespmem:v3+s22+$0x0] =	vst.idx.add.f32.msk $0xffff, v60  }
0xb5: {  	v7 =	vor.u32 v1, v7;
	v3 =	vld [tilespmem:s12+$0xFFFFFFD0]  }
0xb6: {  	v8 =	vshll.u32 v8, $0x4;
	[tilespmem:v4+s22+$0x0] =	vst.idx.add.f32.msk $0xffff, v61  }
0xb7: {  	v8 =	vor.u32 v1, v8;
	v4 =	vld [tilespmem:s12+$0x0]  }
0xb8: {  	[tilespmem:v5+s22+$0x0] =	vst.idx.add.f32.msk $0xffff, v62  }
0xb9: {  	v5 =	vld [tilespmem:s12+$0x30]  }
0xba: {  	v11 =	vshll.u32 v11, $0x4;
	[tilespmem:v7+s22+$0x0] =	vst.idx.add.f32.msk $0xffff, v63  }
0xbb: {  	v9 =	vshll.u32 v9, $0x4;
	v14 =	vshll.u32 v14, $0x4;
	v59 =	vor.u32 v1, v11;
	v7 =	vld [tilespmem:s12+$0x60]  }
0xbc: {  	v15 =	vshll.u32 v15, $0x4;
	v16 =	vshll.u32 v16, $0x4;
	v14 =	vor.u32 v1, v14;
	[tilespmem:v8+s22+$0x0] =	vst.idx.add.f32.msk $0xffff, v58  }
0xbd: {  	v15 =	vor.u32 v1, v15;
	v6 =	vshll.u32 v6, $0x4;
	v60 =	vshll.u32 v12, $0x4;
	v12 =	vld [tilespmem:s12+$0x90]  }
0xbe: {  	v9 =	vor.u32 v1, v9;
	v6 =	vor.u32 v1, v6;
	v25 =	vld [tilespmem:s12+$0xA0];
	v61 =	vadd.f32 v33, v51  }
0xbf: {  	v62 =	vor.u32 v1, v16;
	v33 =	vadd.f32 v35, v27;
	v24 =	vadd.f32 v31, v24;
	v31 =	vld [tilespmem:s12+$0xB0]  }
0xc0: {  	v11 =	vor.u32 v1, v60;
	v35 =	vadd.f32 v36, v52;
	v52 =	vshll.u32 v21, $0x4;
	[tilespmem:v59+s22+$0x0] =	vst.idx.add.f32.msk $0xffff, v61  }
0xc1: {  	v26 =	vshll.u32 v18, $0x4;
	v57 =	vadd.f32 v42, v57;
	v55 =	vor.u32 v1, v52;
	[tilespmem:v14+s22+$0x0] =	vst.idx.add.f32.msk $0xffff, v33  }
0xc2: {  	v3 =	vadd.f32 v34, v3;
	v34 =	vor.u32 v1, v26;
	[tilespmem:v15+s22+$0x0] =	vst.idx.add.f32.msk $0xffff, v35  }
0xc3: {  	v4 =	vadd.f32 v37, v4;
	v37 =	vadd.f32 v38, v28;
	v38 =	vshll.u32 v19, $0x4;
	[tilespmem:v6+s22+$0x0] =	vst.idx.add.f32.msk $0xffff, v57  }
0xc4: {  	v13 =	vshll.u32 v13, $0x4;
	v36 =	vshll.u32 v50, $0x4;
	v50 =	vor.u32 v1, v38;
	[tilespmem:v9+s22+$0x0] =	vst.idx.add.f32.msk $0xffff, v24  }
0xc5: {  	v63 =	vshll.u32 v17, $0x4;
	v60 =	vadd.f32 v45, v48;
	[tilespmem:v11+s22+$0x0] =	vst.idx.add.f32.msk $0xffff, v3;
	v3 =	vor.u32 v1, v13  }
0xc6: {  	v39 =	vadd.f32 v39, v53;
	v24 =	vor.u32 v1, v63;
	[tilespmem:v62+s22+$0x0] =	vst.idx.add.f32.msk $0xffff, v4  }
0xc7: {  	v51 =	vshll.u32 v20, $0x4;
	v7 =	vadd.f32 v43, v7;
	v11 =	vor.u32 v1, v36;
	[tilespmem:v55+s22+$0x0] =	vst.idx.add.f32.msk $0xffff, v60  }
0xc8: {  	v2 =	vshll.u32 v2, $0x4;
	v5 =	vadd.f32 v40, v5;
	v9 =	vor.u32 v1, v51;
	[tilespmem:v34+s22+$0x0] =	vst.idx.add.f32.msk $0xffff, v39  }
0xc9: {  	v56 =	vshll.u32 v22, $0x4;
	v2 =	vor.u32 v1, v2;
	[tilespmem:v50+s22+$0x0] =	vst.idx.add.f32.msk $0xffff, v7  }
0xca: {  	v58 =	vshll.u32 v23, $0x4;
	v53 =	vadd.f32 v41, v29;
	[tilespmem:v3+s22+$0x0] =	vst.idx.add.f32.msk $0xffff, v5;
	v3 =	vor.u32 v1, v56  }
0xcb: {  	v59 =	vadd.f32 v44, v30;
	[tilespmem:v24+s22+$0x0] =	vst.idx.add.f32.msk $0xffff, v37;
	v5 =	vor.u32 v1, v58  }
0xcc: {  	v63 =	vadd.f32 v49, v31;
	[tilespmem:v11+s22+$0x0] =	vst.idx.add.f32.msk $0xffff, v53  }
0xcd: {  	v61 =	vadd.f32 v46, v12;
	[tilespmem:v9+s22+$0x0] =	vst.idx.add.f32.msk $0xffff, v59  }
0xce: {  	v62 =	vadd.f32 v47, v25;
	[tilespmem:v2+s22+$0x0] =	vst.idx.add.f32.msk $0xffff, v63  }
0xcf: {  	s28 =	simm.s32 $0x0;
	[tilespmem:v3+s22+$0x0] =	vst.idx.add.f32.msk $0xffff, v61  }
0xd0: {  	s29 =	sadd.s32 $0x190, s10;
	s30 =	smov.u32 s11;
	s31 =	smov.u32 s12;
	[tilespmem:v5+s22+$0x0] =	vst.idx.add.f32.msk $0xffff, v62  }
.LBB2_4:
0xd1: {  	v2 =	vld [tilespmem:s29+$0xC0];
	s28 =	sadd.s32 $0x19, s28  }
0xd2: {  	v3 =	vld [tilespmem:s29+$0xFFFFFF50];
	p0 =	slt.u32 s28, $0x258  }
0xd3: {  	v4 =	vld [tilespmem:s29+$0xFFFFFF60]  }
0xd4: {  	s30 =	sadd.s32 $0x190, s30;
	v5 =	vld [tilespmem:s29+$0xFFFFFF70]  }
0xd5: {  	v6 =	vld [tilespmem:s30+$0xC0]  }
0xd6: {  	v7 =	vld [tilespmem:s29+$0xFFFFFF80]  }
0xd7: {  	v8 =	vld [tilespmem:s29+$0xFFFFFF90]  }
0xd8: {  	v9 =	vld [tilespmem:s29+$0xFFFFFFA0]  }
0xd9: {  	v2 =	vld.idx.msk [tilespmem:v2+s13+$0x0], $0xffff  }
0xda: {  	v10 =	vld [tilespmem:s29+$0xFFFFFFB0]  }
0xdb: {  	v11 =	vld [tilespmem:s29+$0xFFFFFFC0]  }
0xdc: {  	v12 =	vld [tilespmem:s29+$0xFFFFFFD0]  }
0xdd: {  	s31 =	sadd.s32 $0x190, s31;
	v6 =	vld.idx.msk [tilespmem:v6+s14+$0x0], $0xffff  }
0xde: {  	v13 =	vld [tilespmem:s31+$0xC0]  }
0xdf: {  	v2 =	vshll.u32 v2, $0x4;
	v14 =	vld [tilespmem:s29+$0xFFFFFFE0]  }
0xe0: {  	v2 =	vor.u32 v1, v2;
	v15 =	vld [tilespmem:s29+$0xFFFFFFF0]  }
0xe1: {  	v16 =	vld [tilespmem:s29+$0x0]  }
0xe2: {  	v44 =	vld [tilespmem:s29+$0x10]  }
0xe3: {  	v45 =	vld [tilespmem:s29+$0x20];
	v6 =	vadd.f32 v6, v13  }
0xe4: {  	v13 =	vld [tilespmem:s29+$0x30]  }
0xe5: {  	[tilespmem:v2+s22+$0x0] =	vst.idx.add.f32.msk $0xffff, v6  }
0xe6: {  	v46 =	vld [tilespmem:s29+$0x40]  }
0xe7: {  	v47 =	vld [tilespmem:s29+$0x50]  }
0xe8: {  	v48 =	vld [tilespmem:s29+$0x60]  }
0xe9: {  	v49 =	vld [tilespmem:s29+$0x70]  }
0xea: {  	v50 =	vld [tilespmem:s29+$0x80]  }
0xeb: {  	v17 =	vld [tilespmem:s29+$0x90]  }
0xec: {  	v18 =	vld [tilespmem:s29+$0xA0]  }
0xed: {  	v19 =	vld [tilespmem:s29+$0xB0]  }
0xee: {  	v2 =	vld [tilespmem:s29+$0xFFFFFF40]  }
0xef: {  	v43 =	vld [tilespmem:s30+$0xFFFFFF40]  }
0xf0: {  	v20 =	vld [tilespmem:s30+$0xFFFFFF50]  }
0xf1: {  	v21 =	vld [tilespmem:s30+$0xFFFFFF60]  }
0xf2: {  	v22 =	vld [tilespmem:s30+$0xFFFFFF70]  }
0xf3: {  	v23 =	vld [tilespmem:s30+$0xFFFFFF80]  }
0xf4: {  	v24 =	vld [tilespmem:s30+$0xFFFFFF90]  }
0xf5: {  	v25 =	vld [tilespmem:s30+$0xFFFFFFA0]  }
0xf6: {  	v26 =	vld [tilespmem:s30+$0xFFFFFFB0]  }
0xf7: {  	v27 =	vld [tilespmem:s30+$0xFFFFFFC0]  }
0xf8: {  	v28 =	vld [tilespmem:s30+$0xFFFFFFD0]  }
0xf9: {  	v29 =	vld [tilespmem:s30+$0xFFFFFFE0]  }
0xfa: {  	v30 =	vld [tilespmem:s30+$0xFFFFFFF0]  }
0xfb: {  	v31 =	vld [tilespmem:s30+$0x0]  }
0xfc: {  	v32 =	vld [tilespmem:s30+$0x10]  }
0xfd: {  	v33 =	vld [tilespmem:s30+$0x20]  }
0xfe: {  	v34 =	vld [tilespmem:s30+$0x30]  }
0xff: {  	v35 =	vld [tilespmem:s30+$0x40]  }
0x100: {  	v36 =	vld [tilespmem:s30+$0x50]  }
0x101: {  	v37 =	vld [tilespmem:s30+$0x60]  }
0x102: {  	v38 =	vld [tilespmem:s30+$0x70]  }
0x103: {  	v39 =	vld [tilespmem:s30+$0x80]  }
0x104: {  	v40 =	vld [tilespmem:s30+$0x90]  }
0x105: {  	v41 =	vld [tilespmem:s30+$0xA0]  }
0x106: {  	v42 =	vld [tilespmem:s30+$0xB0]  }
0x107: {  	v2 =	vld.idx.msk [tilespmem:v2+s13+$0x0], $0xffff  }
0x108: {  	v3 =	vld.idx.msk [tilespmem:v3+s13+$0x0], $0xffff  }
0x109: {  	v4 =	vld.idx.msk [tilespmem:v4+s13+$0x0], $0xffff  }
0x10a: {  	v5 =	vld.idx.msk [tilespmem:v5+s13+$0x0], $0xffff  }
0x10b: {  	v6 =	vld.idx.msk [tilespmem:v7+s13+$0x0], $0xffff  }
0x10c: {  	v7 =	vld.idx.msk [tilespmem:v8+s13+$0x0], $0xffff  }
0x10d: {  	v2 =	vshll.u32 v2, $0x4;
	v8 =	vld.idx.msk [tilespmem:v9+s13+$0x0], $0xffff  }
0x10e: {  	v2 =	vor.u32 v1, v2;
	v3 =	vshll.u32 v3, $0x4;
	v9 =	vld.idx.msk [tilespmem:v10+s13+$0x0], $0xffff  }
0x10f: {  	v3 =	vor.u32 v1, v3;
	v4 =	vshll.u32 v4, $0x4;
	v10 =	vld.idx.msk [tilespmem:v11+s13+$0x0], $0xffff  }
0x110: {  	v4 =	vor.u32 v1, v4;
	v5 =	vshll.u32 v5, $0x4;
	v11 =	vld.idx.msk [tilespmem:v12+s13+$0x0], $0xffff  }
0x111: {  	v5 =	vor.u32 v1, v5;
	v6 =	vshll.u32 v6, $0x4;
	v12 =	vld.idx.msk [tilespmem:v14+s13+$0x0], $0xffff  }
0x112: {  	v6 =	vor.u32 v1, v6;
	v7 =	vshll.u32 v7, $0x4;
	v14 =	vld.idx.msk [tilespmem:v15+s13+$0x0], $0xffff  }
0x113: {  	v7 =	vor.u32 v1, v7;
	v8 =	vshll.u32 v8, $0x4;
	v15 =	vld.idx.msk [tilespmem:v16+s13+$0x0], $0xffff  }
0x114: {  	v8 =	vor.u32 v1, v8;
	v9 =	vshll.u32 v9, $0x4;
	v16 =	vld.idx.msk [tilespmem:v44+s13+$0x0], $0xffff  }
0x115: {  	v9 =	vor.u32 v1, v9;
	v10 =	vshll.u32 v10, $0x4;
	v44 =	vld.idx.msk [tilespmem:v45+s13+$0x0], $0xffff  }
0x116: {  	v10 =	vor.u32 v1, v10;
	v11 =	vshll.u32 v11, $0x4;
	v45 =	vld.idx.msk [tilespmem:v13+s13+$0x0], $0xffff  }
0x117: {  	v11 =	vor.u32 v1, v11;
	v12 =	vshll.u32 v12, $0x4;
	v46 =	vld.idx.msk [tilespmem:v46+s13+$0x0], $0xffff  }
0x118: {  	v12 =	vor.u32 v1, v12;
	v13 =	vshll.u32 v14, $0x4;
	v47 =	vld.idx.msk [tilespmem:v47+s13+$0x0], $0xffff  }
0x119: {  	v13 =	vor.u32 v1, v13;
	v14 =	vshll.u32 v15, $0x4;
	v48 =	vld.idx.msk [tilespmem:v48+s13+$0x0], $0xffff  }
0x11a: {  	v14 =	vor.u32 v1, v14;
	v15 =	vshll.u32 v16, $0x4;
	v49 =	vld.idx.msk [tilespmem:v49+s13+$0x0], $0xffff  }
0x11b: {  	v15 =	vor.u32 v1, v15;
	v16 =	vshll.u32 v44, $0x4;
	v44 =	vld.idx.msk [tilespmem:v50+s13+$0x0], $0xffff  }
0x11c: {  	v16 =	vor.u32 v1, v16;
	v45 =	vshll.u32 v45, $0x4;
	v50 =	vld.idx.msk [tilespmem:v17+s13+$0x0], $0xffff  }
0x11d: {  	v17 =	vor.u32 v1, v45;
	v45 =	vshll.u32 v46, $0x4;
	v46 =	vld.idx.msk [tilespmem:v18+s13+$0x0], $0xffff  }
0x11e: {  	v18 =	vor.u32 v1, v45;
	v45 =	vshll.u32 v47, $0x4;
	v47 =	vld.idx.msk [tilespmem:v19+s13+$0x0], $0xffff  }
0x11f: {  	v19 =	vor.u32 v1, v45;
	v45 =	vshll.u32 v48, $0x4;
	v43 =	vld.idx.msk [tilespmem:v43+s14+$0x0], $0xffff  }
0x120: {  	v48 =	vld.idx.msk [tilespmem:v20+s14+$0x0], $0xffff;
	v20 =	vor.u32 v1, v45;
	v45 =	vshll.u32 v49, $0x4  }
0x121: {  	v44 =	vshll.u32 v44, $0x4;
	v49 =	vld.idx.msk [tilespmem:v21+s14+$0x0], $0xffff;
	v21 =	vor.u32 v1, v45  }
0x122: {  	v45 =	vld.idx.msk [tilespmem:v22+s14+$0x0], $0xffff;
	v22 =	vor.u32 v1, v44;
	v44 =	vshll.u32 v50, $0x4  }
0x123: {  	v50 =	vld.idx.msk [tilespmem:v23+s14+$0x0], $0xffff;
	v23 =	vor.u32 v1, v44;
	v44 =	vshll.u32 v46, $0x4  }
0x124: {  	v46 =	vld.idx.msk [tilespmem:v24+s14+$0x0], $0xffff;
	v24 =	vor.u32 v1, v44;
	v44 =	vshll.u32 v47, $0x4  }
0x125: {  	v47 =	vld.idx.msk [tilespmem:v25+s14+$0x0], $0xffff;
	v25 =	vor.u32 v1, v44  }
0x126: {  	v26 =	vld.idx.msk [tilespmem:v26+s14+$0x0], $0xffff  }
0x127: {  	v27 =	vld.idx.msk [tilespmem:v27+s14+$0x0], $0xffff  }
0x128: {  	v28 =	vld.idx.msk [tilespmem:v28+s14+$0x0], $0xffff  }
0x129: {  	v29 =	vld.idx.msk [tilespmem:v29+s14+$0x0], $0xffff  }
0x12a: {  	v30 =	vld.idx.msk [tilespmem:v30+s14+$0x0], $0xffff  }
0x12b: {  	v31 =	vld.idx.msk [tilespmem:v31+s14+$0x0], $0xffff  }
0x12c: {  	v32 =	vld.idx.msk [tilespmem:v32+s14+$0x0], $0xffff  }
0x12d: {  	v33 =	vld.idx.msk [tilespmem:v33+s14+$0x0], $0xffff  }
0x12e: {  	v34 =	vld.idx.msk [tilespmem:v34+s14+$0x0], $0xffff  }
0x12f: {  	v35 =	vld.idx.msk [tilespmem:v35+s14+$0x0], $0xffff  }
0x130: {  	v36 =	vld.idx.msk [tilespmem:v36+s14+$0x0], $0xffff  }
0x131: {  	v37 =	vld.idx.msk [tilespmem:v37+s14+$0x0], $0xffff  }
0x132: {  	v38 =	vld.idx.msk [tilespmem:v38+s14+$0x0], $0xffff  }
0x133: {  	v39 =	vld.idx.msk [tilespmem:v39+s14+$0x0], $0xffff  }
0x134: {  	v40 =	vld.idx.msk [tilespmem:v40+s14+$0x0], $0xffff  }
0x135: {  	v41 =	vld.idx.msk [tilespmem:v41+s14+$0x0], $0xffff  }
0x136: {  	v42 =	vld.idx.msk [tilespmem:v42+s14+$0x0], $0xffff  }
0x137: {  	v44 =	vld [tilespmem:s31+$0xFFFFFF40]  }
0x138: {  	v51 =	vld [tilespmem:s31+$0xFFFFFF50]  }
0x139: {  	v52 =	vld [tilespmem:s31+$0xFFFFFF60]  }
0x13a: {  	v53 =	vld [tilespmem:s31+$0xFFFFFF70]  }
0x13b: {  	v54 =	vld [tilespmem:s31+$0xFFFFFF80]  }
0x13c: {  	v43 =	vadd.f32 v43, v44;
	v44 =	vld [tilespmem:s31+$0xFFFFFF90]  }
0x13d: {  	v48 =	vadd.f32 v48, v51;
	v51 =	vld [tilespmem:s31+$0xFFFFFFA0]  }
0x13e: {  	v49 =	vadd.f32 v49, v52;
	v52 =	vld [tilespmem:s31+$0xFFFFFFB0]  }
0x13f: {  	v45 =	vadd.f32 v45, v53;
	v53 =	vld [tilespmem:s31+$0xFFFFFFC0]  }
0x140: {  	v50 =	vadd.f32 v50, v54;
	v54 =	vld [tilespmem:s31+$0xFFFFFFD0]  }
0x141: {  	v44 =	vadd.f32 v46, v44;
	v46 =	vld [tilespmem:s31+$0xFFFFFFE0]  }
0x142: {  	v47 =	vadd.f32 v47, v51;
	v51 =	vld [tilespmem:s31+$0xFFFFFFF0]  }
0x143: {  	v26 =	vadd.f32 v26, v52;
	v52 =	vld [tilespmem:s31+$0x0]  }
0x144: {  	v27 =	vadd.f32 v27, v53;
	v53 =	vld [tilespmem:s31+$0x10]  }
0x145: {  	v28 =	vadd.f32 v28, v54;
	v54 =	vld [tilespmem:s31+$0x20]  }
0x146: {  	v29 =	vadd.f32 v29, v46;
	v46 =	vld [tilespmem:s31+$0x30]  }
0x147: {  	v30 =	vadd.f32 v30, v51;
	v51 =	vld [tilespmem:s31+$0x40]  }
0x148: {  	v31 =	vadd.f32 v31, v52;
	v52 =	vld [tilespmem:s31+$0x50]  }
0x149: {  	v32 =	vadd.f32 v32, v53;
	v53 =	vld [tilespmem:s31+$0x60]  }
0x14a: {  	v33 =	vadd.f32 v33, v54;
	v54 =	vld [tilespmem:s31+$0x70]  }
0x14b: {  	v34 =	vadd.f32 v34, v46;
	v46 =	vld [tilespmem:s31+$0x80]  }
0x14c: {  	v35 =	vadd.f32 v35, v51;
	v51 =	vld [tilespmem:s31+$0x90]  }
0x14d: {  	v36 =	vadd.f32 v36, v52;
	v52 =	vld [tilespmem:s31+$0xA0]  }
0x14e: {  	v37 =	vadd.f32 v37, v53;
	v53 =	vld [tilespmem:s31+$0xB0]  }
0x14f: {  	[tilespmem:v2+s22+$0x0] =	vst.idx.add.f32.msk $0xffff, v43;
	v2 =	vadd.f32 v38, v54  }
0x150: {  	[tilespmem:v3+s22+$0x0] =	vst.idx.add.f32.msk $0xffff, v48;
	v3 =	vadd.f32 v39, v46  }
0x151: {  	[tilespmem:v4+s22+$0x0] =	vst.idx.add.f32.msk $0xffff, v49;
	v4 =	vadd.f32 v40, v51  }
0x152: {  	[tilespmem:v5+s22+$0x0] =	vst.idx.add.f32.msk $0xffff, v45;
	v5 =	vadd.f32 v41, v52  }
0x153: {  	[tilespmem:v6+s22+$0x0] =	vst.idx.add.f32.msk $0xffff, v50;
	v6 =	vadd.f32 v42, v53  }
0x154: {  	[tilespmem:v7+s22+$0x0] =	vst.idx.add.f32.msk $0xffff, v44  }
0x155: {  	[tilespmem:v8+s22+$0x0] =	vst.idx.add.f32.msk $0xffff, v47  }
0x156: {  	[tilespmem:v9+s22+$0x0] =	vst.idx.add.f32.msk $0xffff, v26  }
0x157: {  	[tilespmem:v10+s22+$0x0] =	vst.idx.add.f32.msk $0xffff, v27  }
0x158: {  	[tilespmem:v11+s22+$0x0] =	vst.idx.add.f32.msk $0xffff, v28  }
0x159: {  	[tilespmem:v12+s22+$0x0] =	vst.idx.add.f32.msk $0xffff, v29  }
0x15a: {  	[tilespmem:v13+s22+$0x0] =	vst.idx.add.f32.msk $0xffff, v30  }
0x15b: {  	[tilespmem:v14+s22+$0x0] =	vst.idx.add.f32.msk $0xffff, v31  }
0x15c: {  	[tilespmem:v15+s22+$0x0] =	vst.idx.add.f32.msk $0xffff, v32  }
0x15d: {  	[tilespmem:v16+s22+$0x0] =	vst.idx.add.f32.msk $0xffff, v33  }
0x15e: {  	[tilespmem:v17+s22+$0x0] =	vst.idx.add.f32.msk $0xffff, v34  }
0x15f: {  	[tilespmem:v18+s22+$0x0] =	vst.idx.add.f32.msk $0xffff, v35  }
0x160: {  	[tilespmem:v19+s22+$0x0] =	vst.idx.add.f32.msk $0xffff, v36  }
0x161: {  	[tilespmem:v20+s22+$0x0] =	vst.idx.add.f32.msk $0xffff, v37  }
.Ltmp1:
0x162: {  	[tilespmem:v21+s22+$0x0] =	vst.idx.add.f32.msk $0xffff, v2;
	(pc) =	sbr.rel @p0 .LBB2_4-.Ltmp1, $4  }
0x163: {  	[tilespmem:v22+s22+$0x0] =	vst.idx.add.f32.msk $0xffff, v3  }
0x164: {  	[tilespmem:v23+s22+$0x0] =	vst.idx.add.f32.msk $0xffff, v4  }
0x165: {  	[tilespmem:v24+s22+$0x0] =	vst.idx.add.f32.msk $0xffff, v5  }
0x166: {  	s29 =	sadd.s32 $0x190, s29;
	[tilespmem:v25+s22+$0x0] =	vst.idx.add.f32.msk $0xffff, v6  }
0x167: {  	s26 =	sadd.s32 $0x1, s26  }
0x168: {  	p0 =	sne.s32 s26, s9  }
.Ltmp2:
0x169: {  	_ = 	snop;
	(pc) =	sbr.rel @p0 .LBB2_1-.Ltmp2, $4  }
0x16a: {  	[hbm4b:s8+s23] =	stream.strided.scatter [tilespmem:s22], [sflag:$0x6], $0x1000, s24, s23, $0x38;
	[tilespmem:$0xD580] =	vst v63  }
0x16b: {  	_ =	swait.ge [sflag:s25], $0x1000  }
0x16c: {  	[sflag:s25] =	ssyncset.done $0x0  }
0x16d: {  	[sflag:s25] =	ssyncadd.s32 $0xFFFFF000  }
0x16e: {  	_ =	sfence.sel $0x180000  }
0x16f: {  	[bflag:$0x0] =	sbarrier.arrive $0xFFFF  }
0x170: {  	p0 =	sne.s32 s0, $0x0;
	_ =	strace $0x90000047  }
0x171: {  	s0 =	sadd.s32 @!p0 $0x100000, s1;
	[bflag:$0x2] =	sbarrier.arrive $0xFFFF  }
0x172: {  	[sflag:s0] =	ssyncadd.tile.s32 @!p0 $0x1;
	_ =	shalt  }
.Lfunc_end2:
_tile_overlayer_lowered:
.L_overlay_start_2:
0x173: {  	(tag) =	ssettag $0x2  }
0x174: {  	s0 =	rddreg [dreg:$0x0];
	s2 =	stileid.u32  }
0x175: {  	s1 =	rddreg [dreg:$0x1];
	p0 =	sne.s32 s2, $0x0  }
0x176: {  	s3 =	rddreg [dreg:$0x2];
	[bflag:$0x3] =	sbarrier.arrive $0xFFFF;
	s2 =	simm.s32 @!p0 $0x1C06  }
0x177: {  	[timem:s3], [sflag:s2] =	dma.local @!p0 [hbm:s0], s1  }
0x178: {  	s0 =	simm.s32 @!p0 $0x6  }
0x179: {  	_ =	swait.ge @!p0 [sflag:s0], s1  }
0x17a: {  	s1 =	ssub.s32 @!p0 $0x0, s1;
	[sflag:s0] =	ssyncset.done @!p0 $0x0  }
0x17b: {  	[sflag:s0] =	ssyncadd.s32 @!p0 s1  }
0x17c: {  	[bflag:$0x3] =	sbarrier.arrive $0xFFFF  }
0x17d: {  	_ =	shalt  }

</sc_bundles>
